<compile_context>
chip_gen: v7x
topology: tpu7x:2x2x1
jax: 0.10.2.dev20260603
libtpu: 0.0.44.dev20260713+nightly
codegen_flags: <defaults>
</compile_context>

<pallas_src>
import functools

import jax
import jax.numpy as jnp
from jax import lax
from jax.experimental import pallas as pl
from jax.experimental.pallas import tpu as pltpu
from jax.experimental.pallas import tpu_sc as plsc

N = 100000
G = 64
C = 32
HALF = 16
NCORES = 2
NSUB = 16
CHUNK = 128
NPAD = 100096
TROWS = NPAD // NSUB
BLK = 2000
NBLK = N // BLK

_f32 = jnp.float32



def _tc_l0_body(x_ref, wrel_ref, wroot_ref, b_ref, yrel_ref, yroot_ref):
    xb = x_ref[...]
    yrel_ref[...] = jnp.dot(xb, wrel_ref[...], preferred_element_type=_f32)
    yroot_ref[...] = jnp.dot(xb, wroot_ref[...], preferred_element_type=_f32) + b_ref[...]


def _tc_mid_body(agg_ref, yrp_ref, wrel_ref, wroot_ref, b_ref, yrel_ref, yroot_ref):
    h = jnp.concatenate([agg_ref[0], agg_ref[1]], axis=1) + yrp_ref[...]
    h = jnp.maximum(h, 0.0)
    yrel_ref[...] = jnp.dot(h, wrel_ref[...], preferred_element_type=_f32)
    yroot_ref[...] = jnp.dot(h, wroot_ref[...], preferred_element_type=_f32) + b_ref[...]


def _tc_layer0(x, wrel, wroot, b):
    return pl.pallas_call(
        _tc_l0_body,
        grid=(NBLK,),
        in_specs=[
            pl.BlockSpec((BLK, 4), lambda i: (i, 0)),
            pl.BlockSpec((4, C), lambda i: (0, 0)),
            pl.BlockSpec((4, C), lambda i: (0, 0)),
            pl.BlockSpec((1, C), lambda i: (0, 0)),
        ],
        out_specs=[
            pl.BlockSpec((BLK, C), lambda i: (i, 0)),
            pl.BlockSpec((BLK, C), lambda i: (i, 0)),
        ],
        out_shape=[
            jax.ShapeDtypeStruct((N, C), _f32),
            jax.ShapeDtypeStruct((N, C), _f32),
        ],
    )(x, wrel, wroot, b)


def _tc_mid(agg, yroot_prev, wrel, wroot, b):
    return pl.pallas_call(
        _tc_mid_body,
        grid=(NBLK,),
        in_specs=[
            pl.BlockSpec((NCORES, BLK, HALF), lambda i: (0, i, 0)),
            pl.BlockSpec((BLK, C), lambda i: (i, 0)),
            pl.BlockSpec((C, C), lambda i: (0, 0)),
            pl.BlockSpec((C, C), lambda i: (0, 0)),
            pl.BlockSpec((1, C), lambda i: (0, 0)),
        ],
        out_specs=[
            pl.BlockSpec((BLK, C), lambda i: (i, 0)),
            pl.BlockSpec((BLK, C), lambda i: (i, 0)),
        ],
        out_shape=[
            jax.ShapeDtypeStruct((N, C), _f32),
            jax.ShapeDtypeStruct((N, C), _f32),
        ],
    )(agg, yroot_prev, wrel, wroot, b)


def _pool_body(agg_ref, yrp_ref, bid_ref, meta_ref, wm_ref, bm_ref,
               fcw_ref, fcb_ref, fc2w_ref, fc2b_ref, out_ref,
               amax_ref, asum_ref, acnt_ref):
    i = pl.program_id(0)

    @pl.when(i == 0)
    def _init():
        amax_ref[...] = jnp.full((G, C), -jnp.inf, _f32)
        asum_ref[...] = jnp.zeros((G, C), _f32)
        acnt_ref[...] = jnp.zeros((G, C), _f32)

    h = jnp.concatenate([agg_ref[0], agg_ref[1]], axis=1) + yrp_ref[...]
    h = jnp.maximum(h, 0.0)
    bid = bid_ref[...]
    s_lo = jnp.min(bid)
    s_hi = jnp.max(bid)
    rows = lax.broadcasted_iota(jnp.int32, (G, C), 0)

    def seg_body(s, _):
        m = bid == s
        mf = m.astype(_f32)
        hm = jnp.where(m, h, -jnp.inf)
        smax = jnp.max(hm, axis=0, keepdims=True)
        ssum = jnp.sum(h * mf, axis=0, keepdims=True)
        scnt = jnp.sum(mf)
        upd = rows == s
        amax_ref[...] = jnp.where(upd, jnp.maximum(amax_ref[...], smax), amax_ref[...])
        asum_ref[...] = jnp.where(upd, asum_ref[...] + ssum, asum_ref[...])
        acnt_ref[...] = jnp.where(upd, acnt_ref[...] + scnt, acnt_ref[...])
        return 0

    lax.fori_loop(s_lo, s_hi + 1, seg_body, 0)

    @pl.when(i == NBLK - 1)
    def _fin():
        xmax = amax_ref[...]
        xmean = asum_ref[...] / jnp.maximum(acnt_ref[...], 1.0)
        m = jnp.maximum(meta_ref[...] * wm_ref[...] + bm_ref[...], 0.0)
        fcw = fcw_ref[...]
        z = (jnp.dot(xmax, fcw[0:C], preferred_element_type=_f32)
             + jnp.dot(xmean, fcw[C:2 * C], preferred_element_type=_f32)
             + jnp.dot(m, fcw[2 * C:2 * C + 4], preferred_element_type=_f32)
             + fcb_ref[...])
        z = jnp.maximum(z, 0.0)
        out_ref[...] = jnp.dot(z, fc2w_ref[...], preferred_element_type=_f32) + fc2b_ref[...]


def _pool_mlp(agg, yroot, bid2, meta, wm2, bm2, fcw, fcb2, fc2w, fc2b2):
    return pl.pallas_call(
        _pool_body,
        grid=(NBLK,),
        in_specs=[
            pl.BlockSpec((NCORES, BLK, HALF), lambda i: (0, i, 0)),
            pl.BlockSpec((BLK, C), lambda i: (i, 0)),
            pl.BlockSpec((BLK, 1), lambda i: (i, 0)),
            pl.BlockSpec((G, 1), lambda i: (0, 0)),
            pl.BlockSpec((1, 4), lambda i: (0, 0)),
            pl.BlockSpec((1, 4), lambda i: (0, 0)),
            pl.BlockSpec((2 * C + 4, C), lambda i: (0, 0)),
            pl.BlockSpec((1, C), lambda i: (0, 0)),
            pl.BlockSpec((C, 1), lambda i: (0, 0)),
            pl.BlockSpec((1, 1), lambda i: (0, 0)),
        ],
        out_specs=pl.BlockSpec((G, 1), lambda i: (0, 0)),
        out_shape=jax.ShapeDtypeStruct((G, 1), _f32),
        scratch_shapes=[
            pltpu.VMEM((G, C), _f32),
            pltpu.VMEM((G, C), _f32),
            pltpu.VMEM((G, C), _f32),
        ],
    )(agg, yroot, bid2, meta, wm2, bm2, fcw, fcb2, fc2w, fc2b2)



def _sc_body(nchunks, etile, t_hbm, sidx_hbm, dst_hbm, z_hbm, out_hbm,
             acc, sidx_v, didx_v, rows_v, sem):
    c = lax.axis_index("c")
    s = lax.axis_index("s")
    pltpu.sync_copy(z_hbm, acc.at[pl.ds(s * TROWS, TROWS)])
    plsc.subcore_barrier()
    base0 = s * etile

    def chunk_body(k, _):
        base = base0 + k * CHUNK
        pltpu.sync_copy(sidx_hbm.at[c, pl.ds(base, CHUNK)], sidx_v)
        pltpu.sync_copy(dst_hbm.at[pl.ds(base, CHUNK)], didx_v)
        pltpu.async_copy(t_hbm.at[sidx_v], rows_v, sem).wait()
        pltpu.sync_copy(rows_v, acc.at[didx_v], add=True)
        return 0

    lax.fori_loop(0, nchunks, chunk_body, 0)
    plsc.subcore_barrier()
    pltpu.sync_copy(acc.at[pl.ds(s * TROWS, TROWS)],
                    out_hbm.at[c, pl.ds(s * TROWS, TROWS)])


def _sc_edge_pass(ep, t2, sidx, dstp, ztile):
    etile = ep // NSUB
    nchunks = etile // CHUNK
    mesh = plsc.VectorSubcoreMesh(core_axis_name="c", subcore_axis_name="s")
    k = pl.kernel(
        functools.partial(_sc_body, nchunks, etile),
        out_type=jax.ShapeDtypeStruct((NCORES, NPAD, HALF), _f32),
        mesh=mesh,
        compiler_params=pltpu.CompilerParams(use_tc_tiling_on_sc=False),
        scratch_types=[
            pltpu.VMEM_SHARED((NPAD, HALF), _f32),
            pltpu.VMEM((CHUNK,), jnp.int32),
            pltpu.VMEM((CHUNK,), jnp.int32),
            pltpu.VMEM((CHUNK, HALF), _f32),
            pltpu.SemaphoreType.DMA,
        ],
    )
    return k(t2, sidx, dstp, ztile)



def kernel(x, edge_index, batch, metadata,
           Wrel0, Wroot0, b0, Wrel1, Wroot1, b1,
           Wrel2, Wroot2, b2, Wrel3, Wroot3, b3,
           wm, bm, fcW, fcb, fc2W, fc2b):
    e = edge_index.shape[1]
    step = NSUB * CHUNK
    ep = ((e + step - 1) // step) * step
    src = edge_index[0]
    dst = edge_index[1]
    pad = ep - e
    srcp = jnp.concatenate([src, jnp.zeros((pad,), jnp.int32)])
    dstp = jnp.concatenate([dst, jnp.full((pad,), N, jnp.int32)])
    sidx = jnp.stack([srcp * 2, srcp * 2 + 1])
    ztile = jnp.zeros((TROWS, HALF), _f32)

    layers = ((Wrel0, Wroot0, b0), (Wrel1, Wroot1, b1),
              (Wrel2, Wroot2, b2), (Wrel3, Wroot3, b3))

    yrel, yroot = _tc_layer0(x, Wrel0, Wroot0, b0.reshape(1, C))
    for wrel, wroot, b in layers[1:]:
        agg = _sc_edge_pass(ep, yrel.reshape(2 * N, HALF), sidx, dstp, ztile)
        yrel, yroot = _tc_mid(agg, yroot, wrel, wroot, b.reshape(1, C))
    agg = _sc_edge_pass(ep, yrel.reshape(2 * N, HALF), sidx, dstp, ztile)

    out = _pool_mlp(agg, yroot, batch.reshape(N, 1), metadata,
                    wm.reshape(1, 4), bm.reshape(1, 4),
                    fcW, fcb.reshape(1, C), fc2W, fc2b.reshape(1, 1))
    return out.reshape(G)

# --- scband reference (transcript-rebuilt; emitter-appended) ---
"""Pipeline reference for scband-graphconv-regression-confounded-31782757990680 (READ-ONLY COPY).

The authoritative reference and input builder live on the scoring server;
editing this copy changes nothing except your own understanding.
"""

import jax, jax.numpy as jnp
import numpy as np

N = 100000
E = 1600000
G = 64
IN_C = 4
H = [32, 32, 32, 32]


def setup_inputs(seed: int = 0) -> dict:
    key = jax.random.key(seed)
    ks = jax.random.split(key, 20)
    inp = {}
    inp["x"] = jax.random.normal(ks[0], (N, IN_C), dtype=jnp.float32)
    inp["edge_index"] = jax.random.randint(ks[1], (2, E), 0, N, dtype=jnp.int32)
    inp["batch"] = jnp.sort(jax.random.randint(ks[2], (N,), 0, G, dtype=jnp.int32))
    inp["metadata"] = jax.random.normal(ks[3], (G, 1), dtype=jnp.float32)
    dims = [(IN_C, H[0]), (H[0], H[1]), (H[1], H[2]), (H[2], H[3])]
    for i, (di, do) in enumerate(dims):
        inp[f"Wrel{i}"] = jax.random.normal(ks[4 + 3 * i], (di, do), dtype=jnp.float32) * (1.0 / np.sqrt(di))
        inp[f"Wroot{i}"] = jax.random.normal(ks[5 + 3 * i], (di, do), dtype=jnp.float32) * (1.0 / np.sqrt(di))
        inp[f"b{i}"] = jnp.zeros((do,), dtype=jnp.float32)
    inp["wm"] = jax.random.normal(ks[16], (4,), dtype=jnp.float32)
    inp["bm"] = jnp.zeros((4,), dtype=jnp.float32)
    inp["fcW"] = jax.random.normal(ks[17], (H[3] * 2 + 4, H[3]), dtype=jnp.float32) * (1.0 / np.sqrt(H[3] * 2 + 4))
    inp["fcb"] = jnp.zeros((H[3],), dtype=jnp.float32)
    inp["fc2W"] = jax.random.normal(ks[18], (H[3], 1), dtype=jnp.float32) * (1.0 / np.sqrt(H[3]))
    inp["fc2b"] = jnp.zeros((1,), dtype=jnp.float32)
    return inp


def _gconv(x, src, dst, Wrel, Wroot, b):
    # PyG GraphConv: out = W_root @ x_i + W_rel @ sum_{j in N(i)} x_j + b
    agg = jnp.zeros_like(x).at[dst].add(x[src])
    return agg @ Wrel + x @ Wroot + b


def reference(x, edge_index, batch, metadata,
              Wrel0, Wroot0, b0, Wrel1, Wroot1, b1,
              Wrel2, Wroot2, b2, Wrel3, Wroot3, b3,
              wm, bm, fcW, fcb, fc2W, fc2b):
    src, dst = edge_index[0], edge_index[1]
    h = x
    for Wrel, Wroot, b in ((Wrel0, Wroot0, b0), (Wrel1, Wroot1, b1), (Wrel2, Wroot2, b2), (Wrel3, Wroot3, b3)):
        h = jax.nn.relu(_gconv(h, src, dst, Wrel, Wroot, b))
    x_max = jax.ops.segment_max(h, batch, num_segments=G)
    sums = jax.ops.segment_sum(h, batch, num_segments=G)
    counts = jax.ops.segment_sum(jnp.ones((h.shape[0],), h.dtype), batch, num_segments=G)
    x_mean = sums / jnp.maximum(counts, 1.0)[:, None]
    # convm: Conv1d(1, 4, kernel_size=1) on metadata[G, 1] -> [G, 4], then ReLU + flatten
    m = jax.nn.relu(metadata * wm[None, :] + bm[None, :])
    x_c = jnp.concatenate([x_max, x_mean, m], axis=1)
    out = jax.nn.relu(x_c @ fcW + fcb)
    out = out @ fc2W + fc2b
    return out[:, 0]

if __name__ == "__main__":
    import jax
    _d = setup_inputs()
    print(jax.jit(kernel)(*tuple(_d.values())))

</pallas_src>

<mosaic_0001>
#map = affine_map<(d0, d1) -> (0, 0)>
#map1 = affine_map<(d0, d1) -> (0)>
#map2 = affine_map<(d0, d1) -> (0, 0, 0)>
module attributes {stable_mosaic.version = 14 : i64} {
  func.func @_sc_body(%arg0: i32, %arg1: i32, %arg2: memref<200000x16xf32, #tpu.memory_space<hbm>>, %arg3: memref<2x1601536xi32, #tpu.memory_space<hbm>>, %arg4: memref<1601536xi32, #tpu.memory_space<hbm>>, %arg5: memref<6256x16xf32, #tpu.memory_space<hbm>>, %arg6: memref<2x100096x16xf32, #tpu.memory_space<hbm>>, %arg7: memref<100096x16xf32, #tpu.memory_space<vmem_shared>>, %arg8: memref<128xi32, #tpu.memory_space<vmem>>, %arg9: memref<128xi32, #tpu.memory_space<vmem>>, %arg10: memref<128x16xf32, #tpu.memory_space<vmem>>, %arg11: memref<!tpu.dma_semaphore, #tpu.memory_space<semaphore_mem>>) attributes {dimension_semantics = [#tpu.dimension_semantics<core_parallel>, #tpu.dimension_semantics<subcore_parallel>], iteration_bounds = array<i64: 2, 16>, scalar_prefetch = 0 : i64, scratch_operands = 5 : i64, tpu.core_type = #tpu.core_type<sc_vector_subcore>, window_params = [{transform_indices = #map}, {transform_indices = #map}, {transform_indices = #map1}, {transform_indices = #map}, {transform_indices = #map2}]} {
    %mul3A = arith.constant 6256 : i32
    %mul3A_0 = arith.muli %arg1, %mul3A : i32
    "tpu.region"() ({
      %run_scoped3A = tpu.sem_alloc : memref<!tpu.dma_semaphore, #tpu.memory_space<semaphore_mem>>
      %dma_start3A = arith.constant 0 : i32
      %dma_start3A_14 = tpu.memref_slice %arg7[%mul3A_0, %dma_start3A] : memref<100096x16xf32, #tpu.memory_space<vmem_shared>> -> memref<6256x16xf32, #tpu.memory_space<vmem_shared>>
      tpu.enqueue_dma source(%arg5 : memref<6256x16xf32, #tpu.memory_space<hbm>>) target(%dma_start3A_14 : memref<6256x16xf32, #tpu.memory_space<vmem_shared>>) target_semaphore(%run_scoped3A : memref<!tpu.dma_semaphore, #tpu.memory_space<semaphore_mem>>)
      %dma_wait3A = arith.constant 0 : i32
      %dma_wait3A_15 = tpu.memref_slice %arg7[%mul3A_0, %dma_wait3A] : memref<100096x16xf32, #tpu.memory_space<vmem_shared>> -> memref<6256x16xf32, #tpu.memory_space<vmem_shared>>
      tpu.wait_dma2 semaphore(%run_scoped3A : memref<!tpu.dma_semaphore, #tpu.memory_space<semaphore_mem>>) src(%arg5 : memref<6256x16xf32, #tpu.memory_space<hbm>>) dst(%dma_wait3A_15 : memref<6256x16xf32, #tpu.memory_space<vmem_shared>>)
      tpu.yield
    }) : () -> ()
    %barrier3A = arith.constant 0 : index
    tpu.barrier barrier_id(%barrier3A)
    %mul3A_1 = arith.constant 100096 : i32
    %mul3A_2 = arith.muli %arg1, %mul3A_1 : i32
    %scan3A = arith.constant 0 : i32
    %scan3A_3 = arith.constant 0 : i32
    %scan3A_4 = arith.constant 782 : i32
    %scan3A_5 = arith.addi %scan3A_3, %scan3A_4 : i32
    %scan3A_6 = arith.constant 1 : i32
    %scan3A_7 = scf.for %scan3A_14 = %scan3A_3 to %scan3A_5 step %scan3A_6 iter_args(%scan3A_15 = %scan3A) -> (i32)  : i32 {
      %mul3A_16 = arith.constant 128 : i32
      %mul3A_17 = arith.muli %scan3A_14, %mul3A_16 : i32
      %add3A = arith.addi %mul3A_2, %mul3A_17 : i32
      "tpu.region"() ({
        %run_scoped3A = tpu.sem_alloc : memref<!tpu.dma_semaphore, #tpu.memory_space<semaphore_mem>>
        %dma_start3A_23 = tpu.memref_slice %arg3[%arg0, %add3A] : memref<2x1601536xi32, #tpu.memory_space<hbm>> -> memref<1x128xi32, #tpu.memory_space<hbm>>
        %dma_start3A_24 = tpu.memref_squeeze %dma_start3A_23 : memref<1x128xi32, #tpu.memory_space<hbm>> -> memref<128xi32, #tpu.memory_space<hbm>>
        %dma_start3A_25 = tpu.memref_slice %arg3[%arg0, %add3A] : memref<2x1601536xi32, #tpu.memory_space<hbm>> -> memref<1x128xi32, #tpu.memory_space<hbm>>
        %dma_start3A_26 = tpu.memref_squeeze %dma_start3A_25 : memref<1x128xi32, #tpu.memory_space<hbm>> -> memref<128xi32, #tpu.memory_space<hbm>>
        tpu.enqueue_dma source(%dma_start3A_26 : memref<128xi32, #tpu.memory_space<hbm>>) target(%arg8 : memref<128xi32, #tpu.memory_space<vmem>>) target_semaphore(%run_scoped3A : memref<!tpu.dma_semaphore, #tpu.memory_space<semaphore_mem>>)
        %dma_wait3A_27 = tpu.memref_slice %arg3[%arg0, %add3A] : memref<2x1601536xi32, #tpu.memory_space<hbm>> -> memref<1x128xi32, #tpu.memory_space<hbm>>
        %dma_wait3A_28 = tpu.memref_squeeze %dma_wait3A_27 : memref<1x128xi32, #tpu.memory_space<hbm>> -> memref<128xi32, #tpu.memory_space<hbm>>
        %dma_wait3A_29 = tpu.memref_slice %arg3[%arg0, %add3A] : memref<2x1601536xi32, #tpu.memory_space<hbm>> -> memref<1x128xi32, #tpu.memory_space<hbm>>
        %dma_wait3A_30 = tpu.memref_squeeze %dma_wait3A_29 : memref<1x128xi32, #tpu.memory_space<hbm>> -> memref<128xi32, #tpu.memory_space<hbm>>
        tpu.wait_dma2 semaphore(%run_scoped3A : memref<!tpu.dma_semaphore, #tpu.memory_space<semaphore_mem>>) src(%dma_wait3A_30 : memref<128xi32, #tpu.memory_space<hbm>>) dst(%arg8 : memref<128xi32, #tpu.memory_space<vmem>>)
        tpu.yield
      }) : () -> ()
      "tpu.region"() ({
        %run_scoped3A = tpu.sem_alloc : memref<!tpu.dma_semaphore, #tpu.memory_space<semaphore_mem>>
        %dma_start3A_23 = tpu.memref_slice %arg4[%add3A] : memref<1601536xi32, #tpu.memory_space<hbm>> -> memref<128xi32, #tpu.memory_space<hbm>>
        %dma_start3A_24 = tpu.memref_slice %arg4[%add3A] : memref<1601536xi32, #tpu.memory_space<hbm>> -> memref<128xi32, #tpu.memory_space<hbm>>
        tpu.enqueue_dma source(%dma_start3A_24 : memref<128xi32, #tpu.memory_space<hbm>>) target(%arg9 : memref<128xi32, #tpu.memory_space<vmem>>) target_semaphore(%run_scoped3A : memref<!tpu.dma_semaphore, #tpu.memory_space<semaphore_mem>>)
        %dma_wait3A_25 = tpu.memref_slice %arg4[%add3A] : memref<1601536xi32, #tpu.memory_space<hbm>> -> memref<128xi32, #tpu.memory_space<hbm>>
        %dma_wait3A_26 = tpu.memref_slice %arg4[%add3A] : memref<1601536xi32, #tpu.memory_space<hbm>> -> memref<128xi32, #tpu.memory_space<hbm>>
        tpu.wait_dma2 semaphore(%run_scoped3A : memref<!tpu.dma_semaphore, #tpu.memory_space<semaphore_mem>>) src(%dma_wait3A_26 : memref<128xi32, #tpu.memory_space<hbm>>) dst(%arg9 : memref<128xi32, #tpu.memory_space<vmem>>)
        tpu.yield
      }) : () -> ()
      %dma_start3A = arith.constant 0 : i32
      %dma_start3A_18 = arith.constant 0 : i32
      %dma_start3A_19 = tpu.memref_slice %arg2[%dma_start3A, %dma_start3A_18] : memref<200000x16xf32, #tpu.memory_space<hbm>> -> memref<200000x16xf32, #tpu.memory_space<hbm>>
      tpu.enqueue_indirect_dma source(%dma_start3A_19 : memref<200000x16xf32, #tpu.memory_space<hbm>>) target(%arg10 : memref<128x16xf32, #tpu.memory_space<vmem>>) offsets(%arg8 : memref<128xi32, #tpu.memory_space<vmem>>) semaphore(%arg11 : memref<!tpu.dma_semaphore, #tpu.memory_space<semaphore_mem>>)
      %dma_wait3A = arith.constant 0 : i32
      %dma_wait3A_20 = arith.constant 0 : i32
      %dma_wait3A_21 = tpu.memref_slice %arg2[%dma_wait3A, %dma_wait3A_20] : memref<200000x16xf32, #tpu.memory_space<hbm>> -> memref<200000x16xf32, #tpu.memory_space<hbm>>
      tpu.wait_indirect_dma semaphore(%arg11 : memref<!tpu.dma_semaphore, #tpu.memory_space<semaphore_mem>>) src(%dma_wait3A_21 : memref<200000x16xf32, #tpu.memory_space<hbm>>) dst(%arg10 : memref<128x16xf32, #tpu.memory_space<vmem>>)
      "tpu.region"() ({
        %run_scoped3A = tpu.sem_alloc : memref<!tpu.dma_semaphore, #tpu.memory_space<semaphore_mem>>
        %dma_start3A_23 = arith.constant 0 : i32
        %dma_start3A_24 = arith.constant 0 : i32
        %dma_start3A_25 = tpu.memref_slice %arg7[%dma_start3A_23, %dma_start3A_24] : memref<100096x16xf32, #tpu.memory_space<vmem_shared>> -> memref<100096x16xf32, #tpu.memory_space<vmem_shared>>
        tpu.enqueue_indirect_dma source(%arg10 : memref<128x16xf32, #tpu.memory_space<vmem>>) target(%dma_start3A_25 : memref<100096x16xf32, #tpu.memory_space<vmem_shared>>) offsets(%arg9 : memref<128xi32, #tpu.memory_space<vmem>>) semaphore(%run_scoped3A : memref<!tpu.dma_semaphore, #tpu.memory_space<semaphore_mem>>) {add = true}
        %dma_wait3A_26 = arith.constant 0 : i32
        %dma_wait3A_27 = arith.constant 0 : i32
        %dma_wait3A_28 = tpu.memref_slice %arg7[%dma_wait3A_26, %dma_wait3A_27] : memref<100096x16xf32, #tpu.memory_space<vmem_shared>> -> memref<100096x16xf32, #tpu.memory_space<vmem_shared>>
        tpu.wait_indirect_dma semaphore(%run_scoped3A : memref<!tpu.dma_semaphore, #tpu.memory_space<semaphore_mem>>) src(%arg10 : memref<128x16xf32, #tpu.memory_space<vmem>>) dst(%dma_wait3A_28 : memref<100096x16xf32, #tpu.memory_space<vmem_shared>>)
        tpu.yield
      }) : () -> ()
      %scan3A_22 = arith.constant 0 : i32
      scf.yield %scan3A_22 : i32
    }
    %scan3A_8 = arith.constant 782 : i32
    %barrier3A_9 = arith.constant 0 : index
    tpu.barrier barrier_id(%barrier3A_9)
    %mul3A_10 = arith.constant 6256 : i32
    %mul3A_11 = arith.muli %arg1, %mul3A_10 : i32
    %mul3A_12 = arith.constant 6256 : i32
    %mul3A_13 = arith.muli %arg1, %mul3A_12 : i32
    "tpu.region"() ({
      %run_scoped3A = tpu.sem_alloc : memref<!tpu.dma_semaphore, #tpu.memory_space<semaphore_mem>>
      %dma_start3A = arith.constant 0 : i32
      %dma_start3A_14 = tpu.memref_slice %arg6[%arg0, %mul3A_13, %dma_start3A] : memref<2x100096x16xf32, #tpu.memory_space<hbm>> -> memref<1x6256x16xf32, #tpu.memory_space<hbm>>
      %dma_start3A_15 = tpu.memref_squeeze %dma_start3A_14 : memref<1x6256x16xf32, #tpu.memory_space<hbm>> -> memref<6256x16xf32, #tpu.memory_space<hbm>>
      %dma_start3A_16 = arith.constant 0 : i32
      %dma_start3A_17 = tpu.memref_slice %arg7[%mul3A_11, %dma_start3A_16] : memref<100096x16xf32, #tpu.memory_space<vmem_shared>> -> memref<6256x16xf32, #tpu.memory_space<vmem_shared>>
      tpu.enqueue_dma source(%dma_start3A_17 : memref<6256x16xf32, #tpu.memory_space<vmem_shared>>) target(%dma_start3A_15 : memref<6256x16xf32, #tpu.memory_space<hbm>>) target_semaphore(%run_scoped3A : memref<!tpu.dma_semaphore, #tpu.memory_space<semaphore_mem>>)
      %dma_wait3A = arith.constant 0 : i32
      %dma_wait3A_18 = tpu.memref_slice %arg6[%arg0, %mul3A_13, %dma_wait3A] : memref<2x100096x16xf32, #tpu.memory_space<hbm>> -> memref<1x6256x16xf32, #tpu.memory_space<hbm>>
      %dma_wait3A_19 = tpu.memref_squeeze %dma_wait3A_18 : memref<1x6256x16xf32, #tpu.memory_space<hbm>> -> memref<6256x16xf32, #tpu.memory_space<hbm>>
      %dma_wait3A_20 = arith.constant 0 : i32
      %dma_wait3A_21 = tpu.memref_slice %arg7[%mul3A_11, %dma_wait3A_20] : memref<100096x16xf32, #tpu.memory_space<vmem_shared>> -> memref<6256x16xf32, #tpu.memory_space<vmem_shared>>
      tpu.wait_dma2 semaphore(%run_scoped3A : memref<!tpu.dma_semaphore, #tpu.memory_space<semaphore_mem>>) src(%dma_wait3A_21 : memref<6256x16xf32, #tpu.memory_space<vmem_shared>>) dst(%dma_wait3A_19 : memref<6256x16xf32, #tpu.memory_space<hbm>>)
      tpu.yield
    }) : () -> ()
    return
  }
}

#map = affine_map<(d0, d1) -> (0, 0)>
#map1 = affine_map<(d0, d1) -> (0)>
#map2 = affine_map<(d0, d1) -> (0, 0, 0)>
module attributes {stable_mosaic.version = 14 : i64} {
  func.func @_sc_body(%arg0: i32, %arg1: i32, %arg2: memref<200000x16xf32, #tpu.memory_space<hbm>>, %arg3: memref<2x1601536xi32, #tpu.memory_space<hbm>>, %arg4: memref<1601536xi32, #tpu.memory_space<hbm>>, %arg5: memref<6256x16xf32, #tpu.memory_space<hbm>>, %arg6: memref<2x100096x16xf32, #tpu.memory_space<hbm>>, %arg7: memref<100096x16xf32, #tpu.memory_space<vmem_shared>>, %arg8: memref<128xi32, #tpu.memory_space<vmem>>, %arg9: memref<128xi32, #tpu.memory_space<vmem>>, %arg10: memref<128x16xf32, #tpu.memory_space<vmem>>, %arg11: memref<!tpu.dma_semaphore, #tpu.memory_space<semaphore_mem>>) attributes {dimension_semantics = [#tpu.dimension_semantics<core_parallel>, #tpu.dimension_semantics<subcore_parallel>], iteration_bounds = array<i64: 2, 16>, scalar_prefetch = 0 : i64, scratch_operands = 5 : i64, tpu.core_type = #tpu.core_type<sc_vector_subcore>, window_params = [{transform_indices = #map}, {transform_indices = #map}, {transform_indices = #map1}, {transform_indices = #map}, {transform_indices = #map2}]} {
    %mul3A = arith.constant 6256 : i32
    %mul3A_0 = arith.muli %arg1, %mul3A : i32
    "tpu.region"() ({
      %run_scoped3A = tpu.sem_alloc : memref<!tpu.dma_semaphore, #tpu.memory_space<semaphore_mem>>
      %dma_start3A = arith.constant 0 : i32
      %dma_start3A_14 = tpu.memref_slice %arg7[%mul3A_0, %dma_start3A] : memref<100096x16xf32, #tpu.memory_space<vmem_shared>> -> memref<6256x16xf32, #tpu.memory_space<vmem_shared>>
      tpu.enqueue_dma source(%arg5 : memref<6256x16xf32, #tpu.memory_space<hbm>>) target(%dma_start3A_14 : memref<6256x16xf32, #tpu.memory_space<vmem_shared>>) target_semaphore(%run_scoped3A : memref<!tpu.dma_semaphore, #tpu.memory_space<semaphore_mem>>)
      %dma_wait3A = arith.constant 0 : i32
      %dma_wait3A_15 = tpu.memref_slice %arg7[%mul3A_0, %dma_wait3A] : memref<100096x16xf32, #tpu.memory_space<vmem_shared>> -> memref<6256x16xf32, #tpu.memory_space<vmem_shared>>
      tpu.wait_dma2 semaphore(%run_scoped3A : memref<!tpu.dma_semaphore, #tpu.memory_space<semaphore_mem>>) src(%arg5 : memref<6256x16xf32, #tpu.memory_space<hbm>>) dst(%dma_wait3A_15 : memref<6256x16xf32, #tpu.memory_space<vmem_shared>>)
      tpu.yield
    }) : () -> ()
    %barrier3A = arith.constant 0 : index
    tpu.barrier barrier_id(%barrier3A)
    %mul3A_1 = arith.constant 100096 : i32
    %mul3A_2 = arith.muli %arg1, %mul3A_1 : i32
    %scan3A = arith.constant 0 : i32
    %scan3A_3 = arith.constant 0 : i32
    %scan3A_4 = arith.constant 782 : i32
    %scan3A_5 = arith.addi %scan3A_3, %scan3A_4 : i32
    %scan3A_6 = arith.constant 1 : i32
    %scan3A_7 = scf.for %scan3A_14 = %scan3A_3 to %scan3A_5 step %scan3A_6 iter_args(%scan3A_15 = %scan3A) -> (i32)  : i32 {
      %mul3A_16 = arith.constant 128 : i32
      %mul3A_17 = arith.muli %scan3A_14, %mul3A_16 : i32
      %add3A = arith.addi %mul3A_2, %mul3A_17 : i32
      "tpu.region"() ({
        %run_scoped3A = tpu.sem_alloc : memref<!tpu.dma_semaphore, #tpu.memory_space<semaphore_mem>>
        %dma_start3A_23 = tpu.memref_slice %arg3[%arg0, %add3A] : memref<2x1601536xi32, #tpu.memory_space<hbm>> -> memref<1x128xi32, #tpu.memory_space<hbm>>
        %dma_start3A_24 = tpu.memref_squeeze %dma_start3A_23 : memref<1x128xi32, #tpu.memory_space<hbm>> -> memref<128xi32, #tpu.memory_space<hbm>>
        %dma_start3A_25 = tpu.memref_slice %arg3[%arg0, %add3A] : memref<2x1601536xi32, #tpu.memory_space<hbm>> -> memref<1x128xi32, #tpu.memory_space<hbm>>
        %dma_start3A_26 = tpu.memref_squeeze %dma_start3A_25 : memref<1x128xi32, #tpu.memory_space<hbm>> -> memref<128xi32, #tpu.memory_space<hbm>>
        tpu.enqueue_dma source(%dma_start3A_26 : memref<128xi32, #tpu.memory_space<hbm>>) target(%arg8 : memref<128xi32, #tpu.memory_space<vmem>>) target_semaphore(%run_scoped3A : memref<!tpu.dma_semaphore, #tpu.memory_space<semaphore_mem>>)
        %dma_wait3A_27 = tpu.memref_slice %arg3[%arg0, %add3A] : memref<2x1601536xi32, #tpu.memory_space<hbm>> -> memref<1x128xi32, #tpu.memory_space<hbm>>
        %dma_wait3A_28 = tpu.memref_squeeze %dma_wait3A_27 : memref<1x128xi32, #tpu.memory_space<hbm>> -> memref<128xi32, #tpu.memory_space<hbm>>
        %dma_wait3A_29 = tpu.memref_slice %arg3[%arg0, %add3A] : memref<2x1601536xi32, #tpu.memory_space<hbm>> -> memref<1x128xi32, #tpu.memory_space<hbm>>
        %dma_wait3A_30 = tpu.memref_squeeze %dma_wait3A_29 : memref<1x128xi32, #tpu.memory_space<hbm>> -> memref<128xi32, #tpu.memory_space<hbm>>
        tpu.wait_dma2 semaphore(%run_scoped3A : memref<!tpu.dma_semaphore, #tpu.memory_space<semaphore_mem>>) src(%dma_wait3A_30 : memref<128xi32, #tpu.memory_space<hbm>>) dst(%arg8 : memref<128xi32, #tpu.memory_space<vmem>>)
        tpu.yield
      }) : () -> ()
      "tpu.region"() ({
        %run_scoped3A = tpu.sem_alloc : memref<!tpu.dma_semaphore, #tpu.memory_space<semaphore_mem>>
        %dma_start3A_23 = tpu.memref_slice %arg4[%add3A] : memref<1601536xi32, #tpu.memory_space<hbm>> -> memref<128xi32, #tpu.memory_space<hbm>>
        %dma_start3A_24 = tpu.memref_slice %arg4[%add3A] : memref<1601536xi32, #tpu.memory_space<hbm>> -> memref<128xi32, #tpu.memory_space<hbm>>
        tpu.enqueue_dma source(%dma_start3A_24 : memref<128xi32, #tpu.memory_space<hbm>>) target(%arg9 : memref<128xi32, #tpu.memory_space<vmem>>) target_semaphore(%run_scoped3A : memref<!tpu.dma_semaphore, #tpu.memory_space<semaphore_mem>>)
        %dma_wait3A_25 = tpu.memref_slice %arg4[%add3A] : memref<1601536xi32, #tpu.memory_space<hbm>> -> memref<128xi32, #tpu.memory_space<hbm>>
        %dma_wait3A_26 = tpu.memref_slice %arg4[%add3A] : memref<1601536xi32, #tpu.memory_space<hbm>> -> memref<128xi32, #tpu.memory_space<hbm>>
        tpu.wait_dma2 semaphore(%run_scoped3A : memref<!tpu.dma_semaphore, #tpu.memory_space<semaphore_mem>>) src(%dma_wait3A_26 : memref<128xi32, #tpu.memory_space<hbm>>) dst(%arg9 : memref<128xi32, #tpu.memory_space<vmem>>)
        tpu.yield
      }) : () -> ()
      %dma_start3A = arith.constant 0 : i32
      %dma_start3A_18 = arith.constant 0 : i32
      %dma_start3A_19 = tpu.memref_slice %arg2[%dma_start3A, %dma_start3A_18] : memref<200000x16xf32, #tpu.memory_space<hbm>> -> memref<200000x16xf32, #tpu.memory_space<hbm>>
      tpu.enqueue_indirect_dma source(%dma_start3A_19 : memref<200000x16xf32, #tpu.memory_space<hbm>>) target(%arg10 : memref<128x16xf32, #tpu.memory_space<vmem>>) offsets(%arg8 : memref<128xi32, #tpu.memory_space<vmem>>) semaphore(%arg11 : memref<!tpu.dma_semaphore, #tpu.memory_space<semaphore_mem>>)
      %dma_wait3A = arith.constant 0 : i32
      %dma_wait3A_20 = arith.constant 0 : i32
      %dma_wait3A_21 = tpu.memref_slice %arg2[%dma_wait3A, %dma_wait3A_20] : memref<200000x16xf32, #tpu.memory_space<hbm>> -> memref<200000x16xf32, #tpu.memory_space<hbm>>
      tpu.wait_indirect_dma semaphore(%arg11 : memref<!tpu.dma_semaphore, #tpu.memory_space<semaphore_mem>>) src(%dma_wait3A_21 : memref<200000x16xf32, #tpu.memory_space<hbm>>) dst(%arg10 : memref<128x16xf32, #tpu.memory_space<vmem>>)
      "tpu.region"() ({
        %run_scoped3A = tpu.sem_alloc : memref<!tpu.dma_semaphore, #tpu.memory_space<semaphore_mem>>
        %dma_start3A_23 = arith.constant 0 : i32
        %dma_start3A_24 = arith.constant 0 : i32
        %dma_start3A_25 = tpu.memref_slice %arg7[%dma_start3A_23, %dma_start3A_24] : memref<100096x16xf32, #tpu.memory_space<vmem_shared>> -> memref<100096x16xf32, #tpu.memory_space<vmem_shared>>
        tpu.enqueue_indirect_dma source(%arg10 : memref<128x16xf32, #tpu.memory_space<vmem>>) target(%dma_start3A_25 : memref<100096x16xf32, #tpu.memory_space<vmem_shared>>) offsets(%arg9 : memref<128xi32, #tpu.memory_space<vmem>>) semaphore(%run_scoped3A : memref<!tpu.dma_semaphore, #tpu.memory_space<semaphore_mem>>) {add = true}
        %dma_wait3A_26 = arith.constant 0 : i32
        %dma_wait3A_27 = arith.constant 0 : i32
        %dma_wait3A_28 = tpu.memref_slice %arg7[%dma_wait3A_26, %dma_wait3A_27] : memref<100096x16xf32, #tpu.memory_space<vmem_shared>> -> memref<100096x16xf32, #tpu.memory_space<vmem_shared>>
        tpu.wait_indirect_dma semaphore(%run_scoped3A : memref<!tpu.dma_semaphore, #tpu.memory_space<semaphore_mem>>) src(%arg10 : memref<128x16xf32, #tpu.memory_space<vmem>>) dst(%dma_wait3A_28 : memref<100096x16xf32, #tpu.memory_space<vmem_shared>>)
        tpu.yield
      }) : () -> ()
      %scan3A_22 = arith.constant 0 : i32
      scf.yield %scan3A_22 : i32
    }
    %scan3A_8 = arith.constant 782 : i32
    %barrier3A_9 = arith.constant 0 : index
    tpu.barrier barrier_id(%barrier3A_9)
    %mul3A_10 = arith.constant 6256 : i32
    %mul3A_11 = arith.muli %arg1, %mul3A_10 : i32
    %mul3A_12 = arith.constant 6256 : i32
    %mul3A_13 = arith.muli %arg1, %mul3A_12 : i32
    "tpu.region"() ({
      %run_scoped3A = tpu.sem_alloc : memref<!tpu.dma_semaphore, #tpu.memory_space<semaphore_mem>>
      %dma_start3A = arith.constant 0 : i32
      %dma_start3A_14 = tpu.memref_slice %arg6[%arg0, %mul3A_13, %dma_start3A] : memref<2x100096x16xf32, #tpu.memory_space<hbm>> -> memref<1x6256x16xf32, #tpu.memory_space<hbm>>
      %dma_start3A_15 = tpu.memref_squeeze %dma_start3A_14 : memref<1x6256x16xf32, #tpu.memory_space<hbm>> -> memref<6256x16xf32, #tpu.memory_space<hbm>>
      %dma_start3A_16 = arith.constant 0 : i32
      %dma_start3A_17 = tpu.memref_slice %arg7[%mul3A_11, %dma_start3A_16] : memref<100096x16xf32, #tpu.memory_space<vmem_shared>> -> memref<6256x16xf32, #tpu.memory_space<vmem_shared>>
      tpu.enqueue_dma source(%dma_start3A_17 : memref<6256x16xf32, #tpu.memory_space<vmem_shared>>) target(%dma_start3A_15 : memref<6256x16xf32, #tpu.memory_space<hbm>>) target_semaphore(%run_scoped3A : memref<!tpu.dma_semaphore, #tpu.memory_space<semaphore_mem>>)
      %dma_wait3A = arith.constant 0 : i32
      %dma_wait3A_18 = tpu.memref_slice %arg6[%arg0, %mul3A_13, %dma_wait3A] : memref<2x100096x16xf32, #tpu.memory_space<hbm>> -> memref<1x6256x16xf32, #tpu.memory_space<hbm>>
      %dma_wait3A_19 = tpu.memref_squeeze %dma_wait3A_18 : memref<1x6256x16xf32, #tpu.memory_space<hbm>> -> memref<6256x16xf32, #tpu.memory_space<hbm>>
      %dma_wait3A_20 = arith.constant 0 : i32
      %dma_wait3A_21 = tpu.memref_slice %arg7[%mul3A_11, %dma_wait3A_20] : memref<100096x16xf32, #tpu.memory_space<vmem_shared>> -> memref<6256x16xf32, #tpu.memory_space<vmem_shared>>
      tpu.wait_dma2 semaphore(%run_scoped3A : memref<!tpu.dma_semaphore, #tpu.memory_space<semaphore_mem>>) src(%dma_wait3A_21 : memref<6256x16xf32, #tpu.memory_space<vmem_shared>>) dst(%dma_wait3A_19 : memref<6256x16xf32, #tpu.memory_space<hbm>>)
      tpu.yield
    }) : () -> ()
    return
  }
}

#map = affine_map<(d0, d1) -> (0, 0)>
#map1 = affine_map<(d0, d1) -> (0)>
#map2 = affine_map<(d0, d1) -> (0, 0, 0)>
module attributes {stable_mosaic.version = 14 : i64} {
  func.func @_sc_body(%arg0: i32, %arg1: i32, %arg2: memref<200000x16xf32, #tpu.memory_space<hbm>>, %arg3: memref<2x1601536xi32, #tpu.memory_space<hbm>>, %arg4: memref<1601536xi32, #tpu.memory_space<hbm>>, %arg5: memref<6256x16xf32, #tpu.memory_space<hbm>>, %arg6: memref<2x100096x16xf32, #tpu.memory_space<hbm>>, %arg7: memref<100096x16xf32, #tpu.memory_space<vmem_shared>>, %arg8: memref<128xi32, #tpu.memory_space<vmem>>, %arg9: memref<128xi32, #tpu.memory_space<vmem>>, %arg10: memref<128x16xf32, #tpu.memory_space<vmem>>, %arg11: memref<!tpu.dma_semaphore, #tpu.memory_space<semaphore_mem>>) attributes {dimension_semantics = [#tpu.dimension_semantics<core_parallel>, #tpu.dimension_semantics<subcore_parallel>], iteration_bounds = array<i64: 2, 16>, scalar_prefetch = 0 : i64, scratch_operands = 5 : i64, tpu.core_type = #tpu.core_type<sc_vector_subcore>, window_params = [{transform_indices = #map}, {transform_indices = #map}, {transform_indices = #map1}, {transform_indices = #map}, {transform_indices = #map2}]} {
    %mul3A = arith.constant 6256 : i32
    %mul3A_0 = arith.muli %arg1, %mul3A : i32
    "tpu.region"() ({
      %run_scoped3A = tpu.sem_alloc : memref<!tpu.dma_semaphore, #tpu.memory_space<semaphore_mem>>
      %dma_start3A = arith.constant 0 : i32
      %dma_start3A_14 = tpu.memref_slice %arg7[%mul3A_0, %dma_start3A] : memref<100096x16xf32, #tpu.memory_space<vmem_shared>> -> memref<6256x16xf32, #tpu.memory_space<vmem_shared>>
      tpu.enqueue_dma source(%arg5 : memref<6256x16xf32, #tpu.memory_space<hbm>>) target(%dma_start3A_14 : memref<6256x16xf32, #tpu.memory_space<vmem_shared>>) target_semaphore(%run_scoped3A : memref<!tpu.dma_semaphore, #tpu.memory_space<semaphore_mem>>)
      %dma_wait3A = arith.constant 0 : i32
      %dma_wait3A_15 = tpu.memref_slice %arg7[%mul3A_0, %dma_wait3A] : memref<100096x16xf32, #tpu.memory_space<vmem_shared>> -> memref<6256x16xf32, #tpu.memory_space<vmem_shared>>
      tpu.wait_dma2 semaphore(%run_scoped3A : memref<!tpu.dma_semaphore, #tpu.memory_space<semaphore_mem>>) src(%arg5 : memref<6256x16xf32, #tpu.memory_space<hbm>>) dst(%dma_wait3A_15 : memref<6256x16xf32, #tpu.memory_space<vmem_shared>>)
      tpu.yield
    }) : () -> ()
    %barrier3A = arith.constant 0 : index
    tpu.barrier barrier_id(%barrier3A)
    %mul3A_1 = arith.constant 100096 : i32
    %mul3A_2 = arith.muli %arg1, %mul3A_1 : i32
    %scan3A = arith.constant 0 : i32
    %scan3A_3 = arith.constant 0 : i32
    %scan3A_4 = arith.constant 782 : i32
    %scan3A_5 = arith.addi %scan3A_3, %scan3A_4 : i32
    %scan3A_6 = arith.constant 1 : i32
    %scan3A_7 = scf.for %scan3A_14 = %scan3A_3 to %scan3A_5 step %scan3A_6 iter_args(%scan3A_15 = %scan3A) -> (i32)  : i32 {
      %mul3A_16 = arith.constant 128 : i32
      %mul3A_17 = arith.muli %scan3A_14, %mul3A_16 : i32
      %add3A = arith.addi %mul3A_2, %mul3A_17 : i32
      "tpu.region"() ({
        %run_scoped3A = tpu.sem_alloc : memref<!tpu.dma_semaphore, #tpu.memory_space<semaphore_mem>>
        %dma_start3A_23 = tpu.memref_slice %arg3[%arg0, %add3A] : memref<2x1601536xi32, #tpu.memory_space<hbm>> -> memref<1x128xi32, #tpu.memory_space<hbm>>
        %dma_start3A_24 = tpu.memref_squeeze %dma_start3A_23 : memref<1x128xi32, #tpu.memory_space<hbm>> -> memref<128xi32, #tpu.memory_space<hbm>>
        %dma_start3A_25 = tpu.memref_slice %arg3[%arg0, %add3A] : memref<2x1601536xi32, #tpu.memory_space<hbm>> -> memref<1x128xi32, #tpu.memory_space<hbm>>
        %dma_start3A_26 = tpu.memref_squeeze %dma_start3A_25 : memref<1x128xi32, #tpu.memory_space<hbm>> -> memref<128xi32, #tpu.memory_space<hbm>>
        tpu.enqueue_dma source(%dma_start3A_26 : memref<128xi32, #tpu.memory_space<hbm>>) target(%arg8 : memref<128xi32, #tpu.memory_space<vmem>>) target_semaphore(%run_scoped3A : memref<!tpu.dma_semaphore, #tpu.memory_space<semaphore_mem>>)
        %dma_wait3A_27 = tpu.memref_slice %arg3[%arg0, %add3A] : memref<2x1601536xi32, #tpu.memory_space<hbm>> -> memref<1x128xi32, #tpu.memory_space<hbm>>
        %dma_wait3A_28 = tpu.memref_squeeze %dma_wait3A_27 : memref<1x128xi32, #tpu.memory_space<hbm>> -> memref<128xi32, #tpu.memory_space<hbm>>
        %dma_wait3A_29 = tpu.memref_slice %arg3[%arg0, %add3A] : memref<2x1601536xi32, #tpu.memory_space<hbm>> -> memref<1x128xi32, #tpu.memory_space<hbm>>
        %dma_wait3A_30 = tpu.memref_squeeze %dma_wait3A_29 : memref<1x128xi32, #tpu.memory_space<hbm>> -> memref<128xi32, #tpu.memory_space<hbm>>
        tpu.wait_dma2 semaphore(%run_scoped3A : memref<!tpu.dma_semaphore, #tpu.memory_space<semaphore_mem>>) src(%dma_wait3A_30 : memref<128xi32, #tpu.memory_space<hbm>>) dst(%arg8 : memref<128xi32, #tpu.memory_space<vmem>>)
        tpu.yield
      }) : () -> ()
      "tpu.region"() ({
        %run_scoped3A = tpu.sem_alloc : memref<!tpu.dma_semaphore, #tpu.memory_space<semaphore_mem>>
        %dma_start3A_23 = tpu.memref_slice %arg4[%add3A] : memref<1601536xi32, #tpu.memory_space<hbm>> -> memref<128xi32, #tpu.memory_space<hbm>>
        %dma_start3A_24 = tpu.memref_slice %arg4[%add3A] : memref<1601536xi32, #tpu.memory_space<hbm>> -> memref<128xi32, #tpu.memory_space<hbm>>
        tpu.enqueue_dma source(%dma_start3A_24 : memref<128xi32, #tpu.memory_space<hbm>>) target(%arg9 : memref<128xi32, #tpu.memory_space<vmem>>) target_semaphore(%run_scoped3A : memref<!tpu.dma_semaphore, #tpu.memory_space<semaphore_mem>>)
        %dma_wait3A_25 = tpu.memref_slice %arg4[%add3A] : memref<1601536xi32, #tpu.memory_space<hbm>> -> memref<128xi32, #tpu.memory_space<hbm>>
        %dma_wait3A_26 = tpu.memref_slice %arg4[%add3A] : memref<1601536xi32, #tpu.memory_space<hbm>> -> memref<128xi32, #tpu.memory_space<hbm>>
        tpu.wait_dma2 semaphore(%run_scoped3A : memref<!tpu.dma_semaphore, #tpu.memory_space<semaphore_mem>>) src(%dma_wait3A_26 : memref<128xi32, #tpu.memory_space<hbm>>) dst(%arg9 : memref<128xi32, #tpu.memory_space<vmem>>)
        tpu.yield
      }) : () -> ()
      %dma_start3A = arith.constant 0 : i32
      %dma_start3A_18 = arith.constant 0 : i32
      %dma_start3A_19 = tpu.memref_slice %arg2[%dma_start3A, %dma_start3A_18] : memref<200000x16xf32, #tpu.memory_space<hbm>> -> memref<200000x16xf32, #tpu.memory_space<hbm>>
      tpu.enqueue_indirect_dma source(%dma_start3A_19 : memref<200000x16xf32, #tpu.memory_space<hbm>>) target(%arg10 : memref<128x16xf32, #tpu.memory_space<vmem>>) offsets(%arg8 : memref<128xi32, #tpu.memory_space<vmem>>) semaphore(%arg11 : memref<!tpu.dma_semaphore, #tpu.memory_space<semaphore_mem>>)
      %dma_wait3A = arith.constant 0 : i32
      %dma_wait3A_20 = arith.constant 0 : i32
      %dma_wait3A_21 = tpu.memref_slice %arg2[%dma_wait3A, %dma_wait3A_20] : memref<200000x16xf32, #tpu.memory_space<hbm>> -> memref<200000x16xf32, #tpu.memory_space<hbm>>
      tpu.wait_indirect_dma semaphore(%arg11 : memref<!tpu.dma_semaphore, #tpu.memory_space<semaphore_mem>>) src(%dma_wait3A_21 : memref<200000x16xf32, #tpu.memory_space<hbm>>) dst(%arg10 : memref<128x16xf32, #tpu.memory_space<vmem>>)
      "tpu.region"() ({
        %run_scoped3A = tpu.sem_alloc : memref<!tpu.dma_semaphore, #tpu.memory_space<semaphore_mem>>
        %dma_start3A_23 = arith.constant 0 : i32
        %dma_start3A_24 = arith.constant 0 : i32
        %dma_start3A_25 = tpu.memref_slice %arg7[%dma_start3A_23, %dma_start3A_24] : memref<100096x16xf32, #tpu.memory_space<vmem_shared>> -> memref<100096x16xf32, #tpu.memory_space<vmem_shared>>
        tpu.enqueue_indirect_dma source(%arg10 : memref<128x16xf32, #tpu.memory_space<vmem>>) target(%dma_start3A_25 : memref<100096x16xf32, #tpu.memory_space<vmem_shared>>) offsets(%arg9 : memref<128xi32, #tpu.memory_space<vmem>>) semaphore(%run_scoped3A : memref<!tpu.dma_semaphore, #tpu.memory_space<semaphore_mem>>) {add = true}
        %dma_wait3A_26 = arith.constant 0 : i32
        %dma_wait3A_27 = arith.constant 0 : i32
        %dma_wait3A_28 = tpu.memref_slice %arg7[%dma_wait3A_26, %dma_wait3A_27] : memref<100096x16xf32, #tpu.memory_space<vmem_shared>> -> memref<100096x16xf32, #tpu.memory_space<vmem_shared>>
        tpu.wait_indirect_dma semaphore(%run_scoped3A : memref<!tpu.dma_semaphore, #tpu.memory_space<semaphore_mem>>) src(%arg10 : memref<128x16xf32, #tpu.memory_space<vmem>>) dst(%dma_wait3A_28 : memref<100096x16xf32, #tpu.memory_space<vmem_shared>>)
        tpu.yield
      }) : () -> ()
      %scan3A_22 = arith.constant 0 : i32
      scf.yield %scan3A_22 : i32
    }
    %scan3A_8 = arith.constant 782 : i32
    %barrier3A_9 = arith.constant 0 : index
    tpu.barrier barrier_id(%barrier3A_9)
    %mul3A_10 = arith.constant 6256 : i32
    %mul3A_11 = arith.muli %arg1, %mul3A_10 : i32
    %mul3A_12 = arith.constant 6256 : i32
    %mul3A_13 = arith.muli %arg1, %mul3A_12 : i32
    "tpu.region"() ({
      %run_scoped3A = tpu.sem_alloc : memref<!tpu.dma_semaphore, #tpu.memory_space<semaphore_mem>>
      %dma_start3A = arith.constant 0 : i32
      %dma_start3A_14 = tpu.memref_slice %arg6[%arg0, %mul3A_13, %dma_start3A] : memref<2x100096x16xf32, #tpu.memory_space<hbm>> -> memref<1x6256x16xf32, #tpu.memory_space<hbm>>
      %dma_start3A_15 = tpu.memref_squeeze %dma_start3A_14 : memref<1x6256x16xf32, #tpu.memory_space<hbm>> -> memref<6256x16xf32, #tpu.memory_space<hbm>>
      %dma_start3A_16 = arith.constant 0 : i32
      %dma_start3A_17 = tpu.memref_slice %arg7[%mul3A_11, %dma_start3A_16] : memref<100096x16xf32, #tpu.memory_space<vmem_shared>> -> memref<6256x16xf32, #tpu.memory_space<vmem_shared>>
      tpu.enqueue_dma source(%dma_start3A_17 : memref<6256x16xf32, #tpu.memory_space<vmem_shared>>) target(%dma_start3A_15 : memref<6256x16xf32, #tpu.memory_space<hbm>>) target_semaphore(%run_scoped3A : memref<!tpu.dma_semaphore, #tpu.memory_space<semaphore_mem>>)
      %dma_wait3A = arith.constant 0 : i32
      %dma_wait3A_18 = tpu.memref_slice %arg6[%arg0, %mul3A_13, %dma_wait3A] : memref<2x100096x16xf32, #tpu.memory_space<hbm>> -> memref<1x6256x16xf32, #tpu.memory_space<hbm>>
      %dma_wait3A_19 = tpu.memref_squeeze %dma_wait3A_18 : memref<1x6256x16xf32, #tpu.memory_space<hbm>> -> memref<6256x16xf32, #tpu.memory_space<hbm>>
      %dma_wait3A_20 = arith.constant 0 : i32
      %dma_wait3A_21 = tpu.memref_slice %arg7[%mul3A_11, %dma_wait3A_20] : memref<100096x16xf32, #tpu.memory_space<vmem_shared>> -> memref<6256x16xf32, #tpu.memory_space<vmem_shared>>
      tpu.wait_dma2 semaphore(%run_scoped3A : memref<!tpu.dma_semaphore, #tpu.memory_space<semaphore_mem>>) src(%dma_wait3A_21 : memref<6256x16xf32, #tpu.memory_space<vmem_shared>>) dst(%dma_wait3A_19 : memref<6256x16xf32, #tpu.memory_space<hbm>>)
      tpu.yield
    }) : () -> ()
    return
  }
}

#map = affine_map<(d0, d1) -> (0, 0)>
#map1 = affine_map<(d0, d1) -> (0)>
#map2 = affine_map<(d0, d1) -> (0, 0, 0)>
module attributes {stable_mosaic.version = 14 : i64} {
  func.func @_sc_body(%arg0: i32, %arg1: i32, %arg2: memref<200000x16xf32, #tpu.memory_space<hbm>>, %arg3: memref<2x1601536xi32, #tpu.memory_space<hbm>>, %arg4: memref<1601536xi32, #tpu.memory_space<hbm>>, %arg5: memref<6256x16xf32, #tpu.memory_space<hbm>>, %arg6: memref<2x100096x16xf32, #tpu.memory_space<hbm>>, %arg7: memref<100096x16xf32, #tpu.memory_space<vmem_shared>>, %arg8: memref<128xi32, #tpu.memory_space<vmem>>, %arg9: memref<128xi32, #tpu.memory_space<vmem>>, %arg10: memref<128x16xf32, #tpu.memory_space<vmem>>, %arg11: memref<!tpu.dma_semaphore, #tpu.memory_space<semaphore_mem>>) attributes {dimension_semantics = [#tpu.dimension_semantics<core_parallel>, #tpu.dimension_semantics<subcore_parallel>], iteration_bounds = array<i64: 2, 16>, scalar_prefetch = 0 : i64, scratch_operands = 5 : i64, tpu.core_type = #tpu.core_type<sc_vector_subcore>, window_params = [{transform_indices = #map}, {transform_indices = #map}, {transform_indices = #map1}, {transform_indices = #map}, {transform_indices = #map2}]} {
    %mul3A = arith.constant 6256 : i32
    %mul3A_0 = arith.muli %arg1, %mul3A : i32
    "tpu.region"() ({
      %run_scoped3A = tpu.sem_alloc : memref<!tpu.dma_semaphore, #tpu.memory_space<semaphore_mem>>
      %dma_start3A = arith.constant 0 : i32
      %dma_start3A_14 = tpu.memref_slice %arg7[%mul3A_0, %dma_start3A] : memref<100096x16xf32, #tpu.memory_space<vmem_shared>> -> memref<6256x16xf32, #tpu.memory_space<vmem_shared>>
      tpu.enqueue_dma source(%arg5 : memref<6256x16xf32, #tpu.memory_space<hbm>>) target(%dma_start3A_14 : memref<6256x16xf32, #tpu.memory_space<vmem_shared>>) target_semaphore(%run_scoped3A : memref<!tpu.dma_semaphore, #tpu.memory_space<semaphore_mem>>)
      %dma_wait3A = arith.constant 0 : i32
      %dma_wait3A_15 = tpu.memref_slice %arg7[%mul3A_0, %dma_wait3A] : memref<100096x16xf32, #tpu.memory_space<vmem_shared>> -> memref<6256x16xf32, #tpu.memory_space<vmem_shared>>
      tpu.wait_dma2 semaphore(%run_scoped3A : memref<!tpu.dma_semaphore, #tpu.memory_space<semaphore_mem>>) src(%arg5 : memref<6256x16xf32, #tpu.memory_space<hbm>>) dst(%dma_wait3A_15 : memref<6256x16xf32, #tpu.memory_space<vmem_shared>>)
      tpu.yield
    }) : () -> ()
    %barrier3A = arith.constant 0 : index
    tpu.barrier barrier_id(%barrier3A)
    %mul3A_1 = arith.constant 100096 : i32
    %mul3A_2 = arith.muli %arg1, %mul3A_1 : i32
    %scan3A = arith.constant 0 : i32
    %scan3A_3 = arith.constant 0 : i32
    %scan3A_4 = arith.constant 782 : i32
    %scan3A_5 = arith.addi %scan3A_3, %scan3A_4 : i32
    %scan3A_6 = arith.constant 1 : i32
    %scan3A_7 = scf.for %scan3A_14 = %scan3A_3 to %scan3A_5 step %scan3A_6 iter_args(%scan3A_15 = %scan3A) -> (i32)  : i32 {
      %mul3A_16 = arith.constant 128 : i32
      %mul3A_17 = arith.muli %scan3A_14, %mul3A_16 : i32
      %add3A = arith.addi %mul3A_2, %mul3A_17 : i32
      "tpu.region"() ({
        %run_scoped3A = tpu.sem_alloc : memref<!tpu.dma_semaphore, #tpu.memory_space<semaphore_mem>>
        %dma_start3A_23 = tpu.memref_slice %arg3[%arg0, %add3A] : memref<2x1601536xi32, #tpu.memory_space<hbm>> -> memref<1x128xi32, #tpu.memory_space<hbm>>
        %dma_start3A_24 = tpu.memref_squeeze %dma_start3A_23 : memref<1x128xi32, #tpu.memory_space<hbm>> -> memref<128xi32, #tpu.memory_space<hbm>>
        %dma_start3A_25 = tpu.memref_slice %arg3[%arg0, %add3A] : memref<2x1601536xi32, #tpu.memory_space<hbm>> -> memref<1x128xi32, #tpu.memory_space<hbm>>
        %dma_start3A_26 = tpu.memref_squeeze %dma_start3A_25 : memref<1x128xi32, #tpu.memory_space<hbm>> -> memref<128xi32, #tpu.memory_space<hbm>>
        tpu.enqueue_dma source(%dma_start3A_26 : memref<128xi32, #tpu.memory_space<hbm>>) target(%arg8 : memref<128xi32, #tpu.memory_space<vmem>>) target_semaphore(%run_scoped3A : memref<!tpu.dma_semaphore, #tpu.memory_space<semaphore_mem>>)
        %dma_wait3A_27 = tpu.memref_slice %arg3[%arg0, %add3A] : memref<2x1601536xi32, #tpu.memory_space<hbm>> -> memref<1x128xi32, #tpu.memory_space<hbm>>
        %dma_wait3A_28 = tpu.memref_squeeze %dma_wait3A_27 : memref<1x128xi32, #tpu.memory_space<hbm>> -> memref<128xi32, #tpu.memory_space<hbm>>
        %dma_wait3A_29 = tpu.memref_slice %arg3[%arg0, %add3A] : memref<2x1601536xi32, #tpu.memory_space<hbm>> -> memref<1x128xi32, #tpu.memory_space<hbm>>
        %dma_wait3A_30 = tpu.memref_squeeze %dma_wait3A_29 : memref<1x128xi32, #tpu.memory_space<hbm>> -> memref<128xi32, #tpu.memory_space<hbm>>
        tpu.wait_dma2 semaphore(%run_scoped3A : memref<!tpu.dma_semaphore, #tpu.memory_space<semaphore_mem>>) src(%dma_wait3A_30 : memref<128xi32, #tpu.memory_space<hbm>>) dst(%arg8 : memref<128xi32, #tpu.memory_space<vmem>>)
        tpu.yield
      }) : () -> ()
      "tpu.region"() ({
        %run_scoped3A = tpu.sem_alloc : memref<!tpu.dma_semaphore, #tpu.memory_space<semaphore_mem>>
        %dma_start3A_23 = tpu.memref_slice %arg4[%add3A] : memref<1601536xi32, #tpu.memory_space<hbm>> -> memref<128xi32, #tpu.memory_space<hbm>>
        %dma_start3A_24 = tpu.memref_slice %arg4[%add3A] : memref<1601536xi32, #tpu.memory_space<hbm>> -> memref<128xi32, #tpu.memory_space<hbm>>
        tpu.enqueue_dma source(%dma_start3A_24 : memref<128xi32, #tpu.memory_space<hbm>>) target(%arg9 : memref<128xi32, #tpu.memory_space<vmem>>) target_semaphore(%run_scoped3A : memref<!tpu.dma_semaphore, #tpu.memory_space<semaphore_mem>>)
        %dma_wait3A_25 = tpu.memref_slice %arg4[%add3A] : memref<1601536xi32, #tpu.memory_space<hbm>> -> memref<128xi32, #tpu.memory_space<hbm>>
        %dma_wait3A_26 = tpu.memref_slice %arg4[%add3A] : memref<1601536xi32, #tpu.memory_space<hbm>> -> memref<128xi32, #tpu.memory_space<hbm>>
        tpu.wait_dma2 semaphore(%run_scoped3A : memref<!tpu.dma_semaphore, #tpu.memory_space<semaphore_mem>>) src(%dma_wait3A_26 : memref<128xi32, #tpu.memory_space<hbm>>) dst(%arg9 : memref<128xi32, #tpu.memory_space<vmem>>)
        tpu.yield
      }) : () -> ()
      %dma_start3A = arith.constant 0 : i32
      %dma_start3A_18 = arith.constant 0 : i32
      %dma_start3A_19 = tpu.memref_slice %arg2[%dma_start3A, %dma_start3A_18] : memref<200000x16xf32, #tpu.memory_space<hbm>> -> memref<200000x16xf32, #tpu.memory_space<hbm>>
      tpu.enqueue_indirect_dma source(%dma_start3A_19 : memref<200000x16xf32, #tpu.memory_space<hbm>>) target(%arg10 : memref<128x16xf32, #tpu.memory_space<vmem>>) offsets(%arg8 : memref<128xi32, #tpu.memory_space<vmem>>) semaphore(%arg11 : memref<!tpu.dma_semaphore, #tpu.memory_space<semaphore_mem>>)
      %dma_wait3A = arith.constant 0 : i32
      %dma_wait3A_20 = arith.constant 0 : i32
      %dma_wait3A_21 = tpu.memref_slice %arg2[%dma_wait3A, %dma_wait3A_20] : memref<200000x16xf32, #tpu.memory_space<hbm>> -> memref<200000x16xf32, #tpu.memory_space<hbm>>
      tpu.wait_indirect_dma semaphore(%arg11 : memref<!tpu.dma_semaphore, #tpu.memory_space<semaphore_mem>>) src(%dma_wait3A_21 : memref<200000x16xf32, #tpu.memory_space<hbm>>) dst(%arg10 : memref<128x16xf32, #tpu.memory_space<vmem>>)
      "tpu.region"() ({
        %run_scoped3A = tpu.sem_alloc : memref<!tpu.dma_semaphore, #tpu.memory_space<semaphore_mem>>
        %dma_start3A_23 = arith.constant 0 : i32
        %dma_start3A_24 = arith.constant 0 : i32
        %dma_start3A_25 = tpu.memref_slice %arg7[%dma_start3A_23, %dma_start3A_24] : memref<100096x16xf32, #tpu.memory_space<vmem_shared>> -> memref<100096x16xf32, #tpu.memory_space<vmem_shared>>
        tpu.enqueue_indirect_dma source(%arg10 : memref<128x16xf32, #tpu.memory_space<vmem>>) target(%dma_start3A_25 : memref<100096x16xf32, #tpu.memory_space<vmem_shared>>) offsets(%arg9 : memref<128xi32, #tpu.memory_space<vmem>>) semaphore(%run_scoped3A : memref<!tpu.dma_semaphore, #tpu.memory_space<semaphore_mem>>) {add = true}
        %dma_wait3A_26 = arith.constant 0 : i32
        %dma_wait3A_27 = arith.constant 0 : i32
        %dma_wait3A_28 = tpu.memref_slice %arg7[%dma_wait3A_26, %dma_wait3A_27] : memref<100096x16xf32, #tpu.memory_space<vmem_shared>> -> memref<100096x16xf32, #tpu.memory_space<vmem_shared>>
        tpu.wait_indirect_dma semaphore(%run_scoped3A : memref<!tpu.dma_semaphore, #tpu.memory_space<semaphore_mem>>) src(%arg10 : memref<128x16xf32, #tpu.memory_space<vmem>>) dst(%dma_wait3A_28 : memref<100096x16xf32, #tpu.memory_space<vmem_shared>>)
        tpu.yield
      }) : () -> ()
      %scan3A_22 = arith.constant 0 : i32
      scf.yield %scan3A_22 : i32
    }
    %scan3A_8 = arith.constant 782 : i32
    %barrier3A_9 = arith.constant 0 : index
    tpu.barrier barrier_id(%barrier3A_9)
    %mul3A_10 = arith.constant 6256 : i32
    %mul3A_11 = arith.muli %arg1, %mul3A_10 : i32
    %mul3A_12 = arith.constant 6256 : i32
    %mul3A_13 = arith.muli %arg1, %mul3A_12 : i32
    "tpu.region"() ({
      %run_scoped3A = tpu.sem_alloc : memref<!tpu.dma_semaphore, #tpu.memory_space<semaphore_mem>>
      %dma_start3A = arith.constant 0 : i32
      %dma_start3A_14 = tpu.memref_slice %arg6[%arg0, %mul3A_13, %dma_start3A] : memref<2x100096x16xf32, #tpu.memory_space<hbm>> -> memref<1x6256x16xf32, #tpu.memory_space<hbm>>
      %dma_start3A_15 = tpu.memref_squeeze %dma_start3A_14 : memref<1x6256x16xf32, #tpu.memory_space<hbm>> -> memref<6256x16xf32, #tpu.memory_space<hbm>>
      %dma_start3A_16 = arith.constant 0 : i32
      %dma_start3A_17 = tpu.memref_slice %arg7[%mul3A_11, %dma_start3A_16] : memref<100096x16xf32, #tpu.memory_space<vmem_shared>> -> memref<6256x16xf32, #tpu.memory_space<vmem_shared>>
      tpu.enqueue_dma source(%dma_start3A_17 : memref<6256x16xf32, #tpu.memory_space<vmem_shared>>) target(%dma_start3A_15 : memref<6256x16xf32, #tpu.memory_space<hbm>>) target_semaphore(%run_scoped3A : memref<!tpu.dma_semaphore, #tpu.memory_space<semaphore_mem>>)
      %dma_wait3A = arith.constant 0 : i32
      %dma_wait3A_18 = tpu.memref_slice %arg6[%arg0, %mul3A_13, %dma_wait3A] : memref<2x100096x16xf32, #tpu.memory_space<hbm>> -> memref<1x6256x16xf32, #tpu.memory_space<hbm>>
      %dma_wait3A_19 = tpu.memref_squeeze %dma_wait3A_18 : memref<1x6256x16xf32, #tpu.memory_space<hbm>> -> memref<6256x16xf32, #tpu.memory_space<hbm>>
      %dma_wait3A_20 = arith.constant 0 : i32
      %dma_wait3A_21 = tpu.memref_slice %arg7[%mul3A_11, %dma_wait3A_20] : memref<100096x16xf32, #tpu.memory_space<vmem_shared>> -> memref<6256x16xf32, #tpu.memory_space<vmem_shared>>
      tpu.wait_dma2 semaphore(%run_scoped3A : memref<!tpu.dma_semaphore, #tpu.memory_space<semaphore_mem>>) src(%dma_wait3A_21 : memref<6256x16xf32, #tpu.memory_space<vmem_shared>>) dst(%dma_wait3A_19 : memref<6256x16xf32, #tpu.memory_space<hbm>>)
      tpu.yield
    }) : () -> ()
    return
  }
}

module attributes {stable_mosaic.version = 14 : i64} {
  func.func @_tc_l0_body(%arg0: i32, %arg1: memref<2000x4xf32, #tpu.memory_space<vmem>>, %arg2: memref<4x32xf32, #tpu.memory_space<vmem>>, %arg3: memref<4x32xf32, #tpu.memory_space<vmem>>, %arg4: memref<1x32xf32, #tpu.memory_space<vmem>>, %arg5: memref<2000x32xf32, #tpu.memory_space<vmem>>, %arg6: memref<2000x32xf32, #tpu.memory_space<vmem>>) attributes {dimension_semantics = [#tpu.dimension_semantics<arbitrary>], iteration_bounds = array<i64: 50>, scalar_prefetch = 0 : i64, scratch_operands = 0 : i64, tpu.core_type = #tpu.core_type<tc>, window_params = [{transform_indices = @transform_0, window_bounds = array<i64: 2000, 4>}, {pipeline_mode = #tpu.pipeline_mode<synchronous>, transform_indices = @transform_1, window_bounds = array<i64: 4, 32>}, {pipeline_mode = #tpu.pipeline_mode<synchronous>, transform_indices = @transform_2, window_bounds = array<i64: 4, 32>}, {pipeline_mode = #tpu.pipeline_mode<synchronous>, transform_indices = @transform_3, window_bounds = array<i64: 1, 32>}, {transform_indices = @transform_4, window_bounds = array<i64: 2000, 32>}, {transform_indices = @transform_5, window_bounds = array<i64: 2000, 32>}]} {
    %get3A = arith.constant 0 : index
    %get3A_0 = arith.constant 0 : index
    %get3A_1 = vector.load %arg1[%get3A, %get3A_0] : memref<2000x4xf32, #tpu.memory_space<vmem>>, vector<2000x4xf32>
    %get3A_2 = arith.constant 0 : index
    %get3A_3 = arith.constant 0 : index
    %get3A_4 = vector.load %arg2[%get3A_2, %get3A_3] : memref<4x32xf32, #tpu.memory_space<vmem>>, vector<4x32xf32>
    %dot_general3A = arith.constant dense<0.000000e+00> : vector<2000x32xf32>
    %dot_general3A_5 = tpu.matmul %get3A_1, %get3A_4, %dot_general3A {dimension_numbers = #tpu.dot_dimension_numbers<[1], [0], [0], [1], [0, 0, 1, 1], [], []>, transpose_lhs_hint = false} : vector<2000x4xf32>, vector<4x32xf32>, vector<2000x32xf32> -> vector<2000x32xf32>
    %swap3A = arith.constant 0 : index
    %swap3A_6 = arith.constant 0 : index
    %swap3A_7 = vector.load %arg5[%swap3A, %swap3A_6] : memref<2000x32xf32, #tpu.memory_space<vmem>>, vector<2000x32xf32>
    tpu.vector_store %arg5[%swap3A, %swap3A_6], %dot_general3A_5 {strides = array<i32>} : memref<2000x32xf32, #tpu.memory_space<vmem>>, vector<2000x32xf32>,
    %get3A_8 = arith.constant 0 : index
    %get3A_9 = arith.constant 0 : index
    %get3A_10 = vector.load %arg3[%get3A_8, %get3A_9] : memref<4x32xf32, #tpu.memory_space<vmem>>, vector<4x32xf32>
    %dot_general3A_11 = arith.constant dense<0.000000e+00> : vector<2000x32xf32>
    %dot_general3A_12 = tpu.matmul %get3A_1, %get3A_10, %dot_general3A_11 {dimension_numbers = #tpu.dot_dimension_numbers<[1], [0], [0], [1], [0, 0, 1, 1], [], []>, transpose_lhs_hint = false} : vector<2000x4xf32>, vector<4x32xf32>, vector<2000x32xf32> -> vector<2000x32xf32>
    %get3A_13 = arith.constant 0 : index
    %get3A_14 = arith.constant 0 : index
    %get3A_15 = vector.load %arg4[%get3A_13, %get3A_14] : memref<1x32xf32, #tpu.memory_space<vmem>>, vector<1x32xf32>
    %add3A = vector.broadcast %get3A_15 : vector<1x32xf32> to vector<2000x32xf32>
    %add3A_16 = arith.addf %dot_general3A_12, %add3A : vector<2000x32xf32>
    %swap3A_17 = arith.constant 0 : index
    %swap3A_18 = arith.constant 0 : index
    %swap3A_19 = vector.load %arg6[%swap3A_17, %swap3A_18] : memref<2000x32xf32, #tpu.memory_space<vmem>>, vector<2000x32xf32>
    tpu.vector_store %arg6[%swap3A_17, %swap3A_18], %add3A_16 {strides = array<i32>} : memref<2000x32xf32, #tpu.memory_space<vmem>>, vector<2000x32xf32>,
    return
  }
  func.func @transform_0(%arg0: i32) -> (i32, i32) {
    %c0_i32 = arith.constant 0 : i32
    %c0_i32_0 = arith.constant 0 : i32
    return %arg0, %c0_i32 : i32, i32
  }
  func.func @transform_1(%arg0: i32) -> (i32, i32) {
    %c0_i32 = arith.constant 0 : i32
    %c0_i32_0 = arith.constant 0 : i32
    %c0_i32_1 = arith.constant 0 : i32
    return %c0_i32, %c0_i32_0 : i32, i32
  }
  func.func @transform_2(%arg0: i32) -> (i32, i32) {
    %c0_i32 = arith.constant 0 : i32
    %c0_i32_0 = arith.constant 0 : i32
    %c0_i32_1 = arith.constant 0 : i32
    return %c0_i32, %c0_i32_0 : i32, i32
  }
  func.func @transform_3(%arg0: i32) -> (i32, i32) {
    %c0_i32 = arith.constant 0 : i32
    %c0_i32_0 = arith.constant 0 : i32
    %c0_i32_1 = arith.constant 0 : i32
    return %c0_i32, %c0_i32_0 : i32, i32
  }
  func.func @transform_4(%arg0: i32) -> (i32, i32) {
    %c0_i32 = arith.constant 0 : i32
    %c0_i32_0 = arith.constant 0 : i32
    return %arg0, %c0_i32 : i32, i32
  }
  func.func @transform_5(%arg0: i32) -> (i32, i32) {
    %c0_i32 = arith.constant 0 : i32
    %c0_i32_0 = arith.constant 0 : i32
    return %arg0, %c0_i32 : i32, i32
  }
}

module attributes {stable_mosaic.version = 14 : i64} {
  func.func @_tc_mid_body(%arg0: i32, %arg1: memref<2x2000x16xf32, #tpu.memory_space<vmem>>, %arg2: memref<2000x32xf32, #tpu.memory_space<vmem>>, %arg3: memref<32x32xf32, #tpu.memory_space<vmem>>, %arg4: memref<32x32xf32, #tpu.memory_space<vmem>>, %arg5: memref<1x32xf32, #tpu.memory_space<vmem>>, %arg6: memref<2000x32xf32, #tpu.memory_space<vmem>>, %arg7: memref<2000x32xf32, #tpu.memory_space<vmem>>) attributes {dimension_semantics = [#tpu.dimension_semantics<arbitrary>], iteration_bounds = array<i64: 50>, scalar_prefetch = 0 : i64, scratch_operands = 0 : i64, tpu.core_type = #tpu.core_type<tc>, window_params = [{transform_indices = @transform_0, window_bounds = array<i64: 2, 2000, 16>}, {transform_indices = @transform_1, window_bounds = array<i64: 2000, 32>}, {pipeline_mode = #tpu.pipeline_mode<synchronous>, transform_indices = @transform_2, window_bounds = array<i64: 32, 32>}, {pipeline_mode = #tpu.pipeline_mode<synchronous>, transform_indices = @transform_3, window_bounds = array<i64: 32, 32>}, {pipeline_mode = #tpu.pipeline_mode<synchronous>, transform_indices = @transform_4, window_bounds = array<i64: 1, 32>}, {transform_indices = @transform_5, window_bounds = array<i64: 2000, 32>}, {transform_indices = @transform_6, window_bounds = array<i64: 2000, 32>}]} {
    %get3A = arith.constant 0 : index
    %get3A_0 = arith.constant 0 : index
    %get3A_1 = arith.constant 0 : index
    %get3A_2 = vector.load %arg1[%get3A, %get3A_0, %get3A_1] : memref<2x2000x16xf32, #tpu.memory_space<vmem>>, vector<1x2000x16xf32>
    %get3A_3 = vector.shape_cast %get3A_2 : vector<1x2000x16xf32> to vector<2000x16xf32>
    %get3A_4 = arith.constant 1 : index
    %get3A_5 = arith.constant 0 : index
    %get3A_6 = arith.constant 0 : index
    %get3A_7 = vector.load %arg1[%get3A_4, %get3A_5, %get3A_6] : memref<2x2000x16xf32, #tpu.memory_space<vmem>>, vector<1x2000x16xf32>
    %get3A_8 = vector.shape_cast %get3A_7 : vector<1x2000x16xf32> to vector<2000x16xf32>
    %concatenate3A = tpu.concatenate %get3A_3, %get3A_8 in 1 : vector<2000x16xf32>, vector<2000x16xf32> -> vector<2000x32xf32>
    %get3A_9 = arith.constant 0 : index
    %get3A_10 = arith.constant 0 : index
    %get3A_11 = vector.load %arg2[%get3A_9, %get3A_10] : memref<2000x32xf32, #tpu.memory_space<vmem>>, vector<2000x32xf32>
    %add3A = arith.addf %concatenate3A, %get3A_11 : vector<2000x32xf32>
    %max3A = arith.constant 0.000000e+00 : f32
    %max3A_12 = vector.broadcast %max3A : f32 to vector<2000x32xf32>
    %max3A_13 = arith.maximumf %add3A, %max3A_12 : vector<2000x32xf32>
    %get3A_14 = arith.constant 0 : index
    %get3A_15 = arith.constant 0 : index
    %get3A_16 = vector.load %arg3[%get3A_14, %get3A_15] : memref<32x32xf32, #tpu.memory_space<vmem>>, vector<32x32xf32>
    %dot_general3A = arith.constant dense<0.000000e+00> : vector<2000x32xf32>
    %dot_general3A_17 = tpu.matmul %max3A_13, %get3A_16, %dot_general3A {dimension_numbers = #tpu.dot_dimension_numbers<[1], [0], [0], [1], [0, 0, 1, 1], [], []>, transpose_lhs_hint = false} : vector<2000x32xf32>, vector<32x32xf32>, vector<2000x32xf32> -> vector<2000x32xf32>
    %swap3A = arith.constant 0 : index
    %swap3A_18 = arith.constant 0 : index
    %swap3A_19 = vector.load %arg6[%swap3A, %swap3A_18] : memref<2000x32xf32, #tpu.memory_space<vmem>>, vector<2000x32xf32>
    tpu.vector_store %arg6[%swap3A, %swap3A_18], %dot_general3A_17 {strides = array<i32>} : memref<2000x32xf32, #tpu.memory_space<vmem>>, vector<2000x32xf32>,
    %get3A_20 = arith.constant 0 : index
    %get3A_21 = arith.constant 0 : index
    %get3A_22 = vector.load %arg4[%get3A_20, %get3A_21] : memref<32x32xf32, #tpu.memory_space<vmem>>, vector<32x32xf32>
    %dot_general3A_23 = arith.constant dense<0.000000e+00> : vector<2000x32xf32>
    %dot_general3A_24 = tpu.matmul %max3A_13, %get3A_22, %dot_general3A_23 {dimension_numbers = #tpu.dot_dimension_numbers<[1], [0], [0], [1], [0, 0, 1, 1], [], []>, transpose_lhs_hint = false} : vector<2000x32xf32>, vector<32x32xf32>, vector<2000x32xf32> -> vector<2000x32xf32>
    %get3A_25 = arith.constant 0 : index
    %get3A_26 = arith.constant 0 : index
    %get3A_27 = vector.load %arg5[%get3A_25, %get3A_26] : memref<1x32xf32, #tpu.memory_space<vmem>>, vector<1x32xf32>
    %add3A_28 = vector.broadcast %get3A_27 : vector<1x32xf32> to vector<2000x32xf32>
    %add3A_29 = arith.addf %dot_general3A_24, %add3A_28 : vector<2000x32xf32>
    %swap3A_30 = arith.constant 0 : index
    %swap3A_31 = arith.constant 0 : index
    %swap3A_32 = vector.load %arg7[%swap3A_30, %swap3A_31] : memref<2000x32xf32, #tpu.memory_space<vmem>>, vector<2000x32xf32>
    tpu.vector_store %arg7[%swap3A_30, %swap3A_31], %add3A_29 {strides = array<i32>} : memref<2000x32xf32, #tpu.memory_space<vmem>>, vector<2000x32xf32>,
    return
  }
  func.func @transform_0(%arg0: i32) -> (i32, i32, i32) {
    %c0_i32 = arith.constant 0 : i32
    %c0_i32_0 = arith.constant 0 : i32
    %c0_i32_1 = arith.constant 0 : i32
    return %c0_i32, %arg0, %c0_i32_0 : i32, i32, i32
  }
  func.func @transform_1(%arg0: i32) -> (i32, i32) {
    %c0_i32 = arith.constant 0 : i32
    %c0_i32_0 = arith.constant 0 : i32
    return %arg0, %c0_i32 : i32, i32
  }
  func.func @transform_2(%arg0: i32) -> (i32, i32) {
    %c0_i32 = arith.constant 0 : i32
    %c0_i32_0 = arith.constant 0 : i32
    %c0_i32_1 = arith.constant 0 : i32
    return %c0_i32, %c0_i32_0 : i32, i32
  }
  func.func @transform_3(%arg0: i32) -> (i32, i32) {
    %c0_i32 = arith.constant 0 : i32
    %c0_i32_0 = arith.constant 0 : i32
    %c0_i32_1 = arith.constant 0 : i32
    return %c0_i32, %c0_i32_0 : i32, i32
  }
  func.func @transform_4(%arg0: i32) -> (i32, i32) {
    %c0_i32 = arith.constant 0 : i32
    %c0_i32_0 = arith.constant 0 : i32
    %c0_i32_1 = arith.constant 0 : i32
    return %c0_i32, %c0_i32_0 : i32, i32
  }
  func.func @transform_5(%arg0: i32) -> (i32, i32) {
    %c0_i32 = arith.constant 0 : i32
    %c0_i32_0 = arith.constant 0 : i32
    return %arg0, %c0_i32 : i32, i32
  }
  func.func @transform_6(%arg0: i32) -> (i32, i32) {
    %c0_i32 = arith.constant 0 : i32
    %c0_i32_0 = arith.constant 0 : i32
    return %arg0, %c0_i32 : i32, i32
  }
}

module attributes {stable_mosaic.version = 14 : i64} {
  func.func @_pool_body(%arg0: i32, %arg1: memref<2x2000x16xf32, #tpu.memory_space<vmem>>, %arg2: memref<2000x32xf32, #tpu.memory_space<vmem>>, %arg3: memref<2000x1xi32, #tpu.memory_space<vmem>>, %arg4: memref<64x1xf32, #tpu.memory_space<vmem>>, %arg5: memref<1x4xf32, #tpu.memory_space<vmem>>, %arg6: memref<1x4xf32, #tpu.memory_space<vmem>>, %arg7: memref<68x32xf32, #tpu.memory_space<vmem>>, %arg8: memref<1x32xf32, #tpu.memory_space<vmem>>, %arg9: memref<32x1xf32, #tpu.memory_space<vmem>>, %arg10: memref<1x1xf32, #tpu.memory_space<vmem>>, %arg11: memref<64x1xf32, #tpu.memory_space<vmem>>, %arg12: memref<64x32xf32, #tpu.memory_space<vmem>>, %arg13: memref<64x32xf32, #tpu.memory_space<vmem>>, %arg14: memref<64x32xf32, #tpu.memory_space<vmem>>) attributes {dimension_semantics = [#tpu.dimension_semantics<arbitrary>], iteration_bounds = array<i64: 50>, scalar_prefetch = 0 : i64, scratch_operands = 3 : i64, tpu.core_type = #tpu.core_type<tc>, window_params = [{transform_indices = @transform_0, window_bounds = array<i64: 2, 2000, 16>}, {transform_indices = @transform_1, window_bounds = array<i64: 2000, 32>}, {transform_indices = @transform_2, window_bounds = array<i64: 2000, 1>}, {pipeline_mode = #tpu.pipeline_mode<synchronous>, transform_indices = @transform_3, window_bounds = array<i64: 64, 1>}, {pipeline_mode = #tpu.pipeline_mode<synchronous>, transform_indices = @transform_4, window_bounds = array<i64: 1, 4>}, {pipeline_mode = #tpu.pipeline_mode<synchronous>, transform_indices = @transform_5, window_bounds = array<i64: 1, 4>}, {pipeline_mode = #tpu.pipeline_mode<synchronous>, transform_indices = @transform_6, window_bounds = array<i64: 68, 32>}, {pipeline_mode = #tpu.pipeline_mode<synchronous>, transform_indices = @transform_7, window_bounds = array<i64: 1, 32>}, {pipeline_mode = #tpu.pipeline_mode<synchronous>, transform_indices = @transform_8, window_bounds = array<i64: 32, 1>}, {pipeline_mode = #tpu.pipeline_mode<synchronous>, transform_indices = @transform_9, window_bounds = array<i64: 1, 1>}, {pipeline_mode = #tpu.pipeline_mode<synchronous>, transform_indices = @transform_10, window_bounds = array<i64: 64, 1>}]} {
    %eq3A = arith.constant 0 : i32
    %eq3A_0 = arith.cmpi eq, %arg0, %eq3A : i32
    %convert_element_type3A = arith.extui %eq3A_0 : i1 to i32
    %cond3A = arith.constant 0 : i32
    %cond3A_1 = arith.cmpi ne, %convert_element_type3A, %cond3A : i32
    scf.if %cond3A_1 {
      %broadcast_in_dim3A = arith.constant 0xFF800000 : f32
      %broadcast_in_dim3A_44 = vector.broadcast %broadcast_in_dim3A : f32 to vector<64x32xf32>
      %swap3A = arith.constant 0 : index
      %swap3A_45 = arith.constant 0 : index
      %swap3A_46 = vector.load %arg12[%swap3A, %swap3A_45] : memref<64x32xf32, #tpu.memory_space<vmem>>, vector<64x32xf32>
      tpu.vector_store %arg12[%swap3A, %swap3A_45], %broadcast_in_dim3A_44 {strides = array<i32>} : memref<64x32xf32, #tpu.memory_space<vmem>>, vector<64x32xf32>,
      %broadcast_in_dim3A_47 = arith.constant 0.000000e+00 : f32
      %broadcast_in_dim3A_48 = vector.broadcast %broadcast_in_dim3A_47 : f32 to vector<64x32xf32>
      %swap3A_49 = arith.constant 0 : index
      %swap3A_50 = arith.constant 0 : index
      %swap3A_51 = vector.load %arg13[%swap3A_49, %swap3A_50] : memref<64x32xf32, #tpu.memory_space<vmem>>, vector<64x32xf32>
      tpu.vector_store %arg13[%swap3A_49, %swap3A_50], %broadcast_in_dim3A_48 {strides = array<i32>} : memref<64x32xf32, #tpu.memory_space<vmem>>, vector<64x32xf32>,
      %broadcast_in_dim3A_52 = arith.constant 0.000000e+00 : f32
      %broadcast_in_dim3A_53 = vector.broadcast %broadcast_in_dim3A_52 : f32 to vector<64x32xf32>
      %swap3A_54 = arith.constant 0 : index
      %swap3A_55 = arith.constant 0 : index
      %swap3A_56 = vector.load %arg14[%swap3A_54, %swap3A_55] : memref<64x32xf32, #tpu.memory_space<vmem>>, vector<64x32xf32>
      tpu.vector_store %arg14[%swap3A_54, %swap3A_55], %broadcast_in_dim3A_53 {strides = array<i32>} : memref<64x32xf32, #tpu.memory_space<vmem>>, vector<64x32xf32>,
    } else {
    }
    %get3A = arith.constant 0 : index
    %get3A_2 = arith.constant 0 : index
    %get3A_3 = arith.constant 0 : index
    %get3A_4 = vector.load %arg1[%get3A, %get3A_2, %get3A_3] : memref<2x2000x16xf32, #tpu.memory_space<vmem>>, vector<1x2000x16xf32>
    %get3A_5 = vector.shape_cast %get3A_4 : vector<1x2000x16xf32> to vector<2000x16xf32>
    %get3A_6 = arith.constant 1 : index
    %get3A_7 = arith.constant 0 : index
    %get3A_8 = arith.constant 0 : index
    %get3A_9 = vector.load %arg1[%get3A_6, %get3A_7, %get3A_8] : memref<2x2000x16xf32, #tpu.memory_space<vmem>>, vector<1x2000x16xf32>
    %get3A_10 = vector.shape_cast %get3A_9 : vector<1x2000x16xf32> to vector<2000x16xf32>
    %concatenate3A = tpu.concatenate %get3A_5, %get3A_10 in 1 : vector<2000x16xf32>, vector<2000x16xf32> -> vector<2000x32xf32>
    %get3A_11 = arith.constant 0 : index
    %get3A_12 = arith.constant 0 : index
    %get3A_13 = vector.load %arg2[%get3A_11, %get3A_12] : memref<2000x32xf32, #tpu.memory_space<vmem>>, vector<2000x32xf32>
    %add3A = arith.addf %concatenate3A, %get3A_13 : vector<2000x32xf32>
    %max3A = arith.constant 0.000000e+00 : f32
    %max3A_14 = vector.broadcast %max3A : f32 to vector<2000x32xf32>
    %max3A_15 = arith.maximumf %add3A, %max3A_14 : vector<2000x32xf32>
    %get3A_16 = arith.constant 0 : index
    %get3A_17 = arith.constant 0 : index
    %get3A_18 = vector.load %arg3[%get3A_16, %get3A_17] : memref<2000x1xi32, #tpu.memory_space<vmem>>, vector<2000x1xi32>
    %reduce_min3A = vector.shape_cast %get3A_18 : vector<2000x1xi32> to vector<1x2000x1xi32>
    %reduce_min3A_19 = arith.constant dense<2147483647> : vector<1xi32>
    %reduce_min3A_20 = vector.multi_reduction <minsi>, %reduce_min3A, %reduce_min3A_19 [1, 2] : vector<1x2000x1xi32> to vector<1xi32>
    %reduce_min3A_21 = vector.shape_cast %reduce_min3A_20 : vector<1xi32> to vector<1x1x1xi32>
    %reduce_min3A_22 = vector.extract %reduce_min3A_21[0, 0, 0] : i32 from vector<1x1x1xi32>
    %reduce_max3A = vector.shape_cast %get3A_18 : vector<2000x1xi32> to vector<1x2000x1xi32>
    %reduce_max3A_23 = arith.constant dense<-2147483648> : vector<1xi32>
    %reduce_max3A_24 = vector.multi_reduction <maxsi>, %reduce_max3A, %reduce_max3A_23 [1, 2] : vector<1x2000x1xi32> to vector<1xi32>
    %reduce_max3A_25 = vector.shape_cast %reduce_max3A_24 : vector<1xi32> to vector<1x1x1xi32>
    %reduce_max3A_26 = vector.extract %reduce_max3A_25[0, 0, 0] : i32 from vector<1x1x1xi32>
    %iota3A = tpu.iota {dimensions = array<i32: 0>} : vector<64x32xi32>
    %add3A_27 = arith.constant 1 : i32
    %add3A_28 = arith.addi %reduce_max3A_26, %add3A_27 : i32
    %while3A = arith.constant 0 : i32
    %while3A_29 = arith.subi %add3A_28, %reduce_min3A_22 : i32
    %while3A_30 = arith.addi %reduce_min3A_22, %while3A_29 : i32
    %while3A_31 = arith.constant 1 : i32
    %while3A_32 = arith.divsi %while3A_29, %while3A_31 : i32
    %while3A_33 = arith.muli %while3A_32, %while3A_31 : i32
    %while3A_34 = arith.addi %reduce_min3A_22, %while3A_33 : i32
    %while3A_35 = arith.constant 1 : i32
    %while3A_36 = scf.for %while3A_44 = %reduce_min3A_22 to %while3A_34 step %while3A_35 iter_args(%while3A_45 = %while3A) -> (i32)  : i32 {
      %eq3A_46 = vector.broadcast %while3A_44 : i32 to vector<2000x1xi32>
      %eq3A_47 = arith.cmpi eq, %get3A_18, %eq3A_46 : vector<2000x1xi32>
      %convert_element_type3A_48 = arith.extui %eq3A_47 : vector<2000x1xi1> to vector<2000x1xi32>
      %convert_element_type3A_49 = arith.sitofp %convert_element_type3A_48 : vector<2000x1xi32> to vector<2000x1xf32>
      %jit3A = arith.constant 0xFF800000 : f32
      %broadcast_in_dim3A = vector.shape_cast %eq3A_47 : vector<2000x1xi1> to vector<2000x1xi1>
      %broadcast_in_dim3A_50 = vector.broadcast %broadcast_in_dim3A : vector<2000x1xi1> to vector<2000x32xi1>
      %broadcast_in_dim3A_51 = vector.broadcast %jit3A : f32 to vector<2000x32xf32>
      %select_n3A = arith.select %broadcast_in_dim3A_50, %max3A_15, %broadcast_in_dim3A_51 : vector<2000x32xi1>, vector<2000x32xf32>
      %reduce_max3A_52 = arith.constant dense<0xFF800000> : vector<32xf32>
      %reduce_max3A_53 = vector.multi_reduction <maximumf>, %select_n3A, %reduce_max3A_52 [0] : vector<2000x32xf32> to vector<32xf32>
      %broadcast_in_dim3A_54 = vector.shape_cast %reduce_max3A_53 : vector<32xf32> to vector<1x32xf32>
      %mul3A = vector.broadcast %convert_element_type3A_49 : vector<2000x1xf32> to vector<2000x32xf32>
      %mul3A_55 = arith.mulf %max3A_15, %mul3A : vector<2000x32xf32>
      %reduce_sum3A = arith.constant dense<0.000000e+00> : vector<32xf32>
      %reduce_sum3A_56 = vector.multi_reduction <add>, %mul3A_55, %reduce_sum3A [0] : vector<2000x32xf32> to vector<32xf32>
      %broadcast_in_dim3A_57 = vector.shape_cast %reduce_sum3A_56 : vector<32xf32> to vector<1x32xf32>
      %reduce_sum3A_58 = vector.shape_cast %convert_element_type3A_49 : vector<2000x1xf32> to vector<1x2000x1xf32>
      %reduce_sum3A_59 = arith.constant dense<0.000000e+00> : vector<1xf32>
      %reduce_sum3A_60 = vector.multi_reduction <add>, %reduce_sum3A_58, %reduce_sum3A_59 [1, 2] : vector<1x2000x1xf32> to vector<1xf32>
      %reduce_sum3A_61 = vector.shape_cast %reduce_sum3A_60 : vector<1xf32> to vector<1x1x1xf32>
      %reduce_sum3A_62 = vector.extract %reduce_sum3A_61[0, 0, 0] : f32 from vector<1x1x1xf32>
      %eq3A_63 = vector.broadcast %while3A_44 : i32 to vector<64x32xi32>
      %eq3A_64 = arith.cmpi eq, %iota3A, %eq3A_63 : vector<64x32xi32>
      %get3A_65 = arith.constant 0 : index
      %get3A_66 = arith.constant 0 : index
      %get3A_67 = vector.load %arg12[%get3A_65, %get3A_66] : memref<64x32xf32, #tpu.memory_space<vmem>>, vector<64x32xf32>
      %max3A_68 = vector.broadcast %broadcast_in_dim3A_54 : vector<1x32xf32> to vector<64x32xf32>
      %max3A_69 = arith.maximumf %get3A_67, %max3A_68 : vector<64x32xf32>
      %get3A_70 = arith.constant 0 : index
      %get3A_71 = arith.constant 0 : index
      %get3A_72 = vector.load %arg12[%get3A_70, %get3A_71] : memref<64x32xf32, #tpu.memory_space<vmem>>, vector<64x32xf32>
      %select_n3A_73 = arith.select %eq3A_64, %max3A_69, %get3A_72 : vector<64x32xi1>, vector<64x32xf32>
      %swap3A = arith.constant 0 : index
      %swap3A_74 = arith.constant 0 : index
      %swap3A_75 = vector.load %arg12[%swap3A, %swap3A_74] : memref<64x32xf32, #tpu.memory_space<vmem>>, vector<64x32xf32>
      tpu.vector_store %arg12[%swap3A, %swap3A_74], %select_n3A_73 {strides = array<i32>} : memref<64x32xf32, #tpu.memory_space<vmem>>, vector<64x32xf32>,
      %get3A_76 = arith.constant 0 : index
      %get3A_77 = arith.constant 0 : index
      %get3A_78 = vector.load %arg13[%get3A_76, %get3A_77] : memref<64x32xf32, #tpu.memory_space<vmem>>, vector<64x32xf32>
      %add3A_79 = vector.broadcast %broadcast_in_dim3A_57 : vector<1x32xf32> to vector<64x32xf32>
      %add3A_80 = arith.addf %get3A_78, %add3A_79 : vector<64x32xf32>
      %get3A_81 = arith.constant 0 : index
      %get3A_82 = arith.constant 0 : index
      %get3A_83 = vector.load %arg13[%get3A_81, %get3A_82] : memref<64x32xf32, #tpu.memory_space<vmem>>, vector<64x32xf32>
      %select_n3A_84 = arith.select %eq3A_64, %add3A_80, %get3A_83 : vector<64x32xi1>, vector<64x32xf32>
      %swap3A_85 = arith.constant 0 : index
      %swap3A_86 = arith.constant 0 : index
      %swap3A_87 = vector.load %arg13[%swap3A_85, %swap3A_86] : memref<64x32xf32, #tpu.memory_space<vmem>>, vector<64x32xf32>
      tpu.vector_store %arg13[%swap3A_85, %swap3A_86], %select_n3A_84 {strides = array<i32>} : memref<64x32xf32, #tpu.memory_space<vmem>>, vector<64x32xf32>,
      %get3A_88 = arith.constant 0 : index
      %get3A_89 = arith.constant 0 : index
      %get3A_90 = vector.load %arg14[%get3A_88, %get3A_89] : memref<64x32xf32, #tpu.memory_space<vmem>>, vector<64x32xf32>
      %add3A_91 = vector.broadcast %reduce_sum3A_62 : f32 to vector<64x32xf32>
      %add3A_92 = arith.addf %get3A_90, %add3A_91 : vector<64x32xf32>
      %get3A_93 = arith.constant 0 : index
      %get3A_94 = arith.constant 0 : index
      %get3A_95 = vector.load %arg14[%get3A_93, %get3A_94] : memref<64x32xf32, #tpu.memory_space<vmem>>, vector<64x32xf32>
      %select_n3A_96 = arith.select %eq3A_64, %add3A_92, %get3A_95 : vector<64x32xi1>, vector<64x32xf32>
      %swap3A_97 = arith.constant 0 : index
      %swap3A_98 = arith.constant 0 : index
      %swap3A_99 = vector.load %arg14[%swap3A_97, %swap3A_98] : memref<64x32xf32, #tpu.memory_space<vmem>>, vector<64x32xf32>
      tpu.vector_store %arg14[%swap3A_97, %swap3A_98], %select_n3A_96 {strides = array<i32>} : memref<64x32xf32, #tpu.memory_space<vmem>>, vector<64x32xf32>,
      %while3A_100 = arith.constant 0 : i32
      scf.yield %while3A_100 : i32
    }
    %while3A_37 = arith.constant 1 : i32
    %while3A_38 = scf.for %while3A_44 = %while3A_34 to %while3A_30 step %while3A_37 iter_args(%while3A_45 = %while3A_36) -> (i32)  : i32 {
      %eq3A_46 = vector.broadcast %while3A_44 : i32 to vector<2000x1xi32>
      %eq3A_47 = arith.cmpi eq, %get3A_18, %eq3A_46 : vector<2000x1xi32>
      %convert_element_type3A_48 = arith.extui %eq3A_47 : vector<2000x1xi1> to vector<2000x1xi32>
      %convert_element_type3A_49 = arith.sitofp %convert_element_type3A_48 : vector<2000x1xi32> to vector<2000x1xf32>
      %jit3A = arith.constant 0xFF800000 : f32
      %broadcast_in_dim3A = vector.shape_cast %eq3A_47 : vector<2000x1xi1> to vector<2000x1xi1>
      %broadcast_in_dim3A_50 = vector.broadcast %broadcast_in_dim3A : vector<2000x1xi1> to vector<2000x32xi1>
      %broadcast_in_dim3A_51 = vector.broadcast %jit3A : f32 to vector<2000x32xf32>
      %select_n3A = arith.select %broadcast_in_dim3A_50, %max3A_15, %broadcast_in_dim3A_51 : vector<2000x32xi1>, vector<2000x32xf32>
      %reduce_max3A_52 = arith.constant dense<0xFF800000> : vector<32xf32>
      %reduce_max3A_53 = vector.multi_reduction <maximumf>, %select_n3A, %reduce_max3A_52 [0] : vector<2000x32xf32> to vector<32xf32>
      %broadcast_in_dim3A_54 = vector.shape_cast %reduce_max3A_53 : vector<32xf32> to vector<1x32xf32>
      %mul3A = vector.broadcast %convert_element_type3A_49 : vector<2000x1xf32> to vector<2000x32xf32>
      %mul3A_55 = arith.mulf %max3A_15, %mul3A : vector<2000x32xf32>
      %reduce_sum3A = arith.constant dense<0.000000e+00> : vector<32xf32>
      %reduce_sum3A_56 = vector.multi_reduction <add>, %mul3A_55, %reduce_sum3A [0] : vector<2000x32xf32> to vector<32xf32>
      %broadcast_in_dim3A_57 = vector.shape_cast %reduce_sum3A_56 : vector<32xf32> to vector<1x32xf32>
      %reduce_sum3A_58 = vector.shape_cast %convert_element_type3A_49 : vector<2000x1xf32> to vector<1x2000x1xf32>
      %reduce_sum3A_59 = arith.constant dense<0.000000e+00> : vector<1xf32>
      %reduce_sum3A_60 = vector.multi_reduction <add>, %reduce_sum3A_58, %reduce_sum3A_59 [1, 2] : vector<1x2000x1xf32> to vector<1xf32>
      %reduce_sum3A_61 = vector.shape_cast %reduce_sum3A_60 : vector<1xf32> to vector<1x1x1xf32>
      %reduce_sum3A_62 = vector.extract %reduce_sum3A_61[0, 0, 0] : f32 from vector<1x1x1xf32>
      %eq3A_63 = vector.broadcast %while3A_44 : i32 to vector<64x32xi32>
      %eq3A_64 = arith.cmpi eq, %iota3A, %eq3A_63 : vector<64x32xi32>
      %get3A_65 = arith.constant 0 : index
      %get3A_66 = arith.constant 0 : index
      %get3A_67 = vector.load %arg12[%get3A_65, %get3A_66] : memref<64x32xf32, #tpu.memory_space<vmem>>, vector<64x32xf32>
      %max3A_68 = vector.broadcast %broadcast_in_dim3A_54 : vector<1x32xf32> to vector<64x32xf32>
      %max3A_69 = arith.maximumf %get3A_67, %max3A_68 : vector<64x32xf32>
      %get3A_70 = arith.constant 0 : index
      %get3A_71 = arith.constant 0 : index
      %get3A_72 = vector.load %arg12[%get3A_70, %get3A_71] : memref<64x32xf32, #tpu.memory_space<vmem>>, vector<64x32xf32>
      %select_n3A_73 = arith.select %eq3A_64, %max3A_69, %get3A_72 : vector<64x32xi1>, vector<64x32xf32>
      %swap3A = arith.constant 0 : index
      %swap3A_74 = arith.constant 0 : index
      %swap3A_75 = vector.load %arg12[%swap3A, %swap3A_74] : memref<64x32xf32, #tpu.memory_space<vmem>>, vector<64x32xf32>
      tpu.vector_store %arg12[%swap3A, %swap3A_74], %select_n3A_73 {strides = array<i32>} : memref<64x32xf32, #tpu.memory_space<vmem>>, vector<64x32xf32>,
      %get3A_76 = arith.constant 0 : index
      %get3A_77 = arith.constant 0 : index
      %get3A_78 = vector.load %arg13[%get3A_76, %get3A_77] : memref<64x32xf32, #tpu.memory_space<vmem>>, vector<64x32xf32>
      %add3A_79 = vector.broadcast %broadcast_in_dim3A_57 : vector<1x32xf32> to vector<64x32xf32>
      %add3A_80 = arith.addf %get3A_78, %add3A_79 : vector<64x32xf32>
      %get3A_81 = arith.constant 0 : index
      %get3A_82 = arith.constant 0 : index
      %get3A_83 = vector.load %arg13[%get3A_81, %get3A_82] : memref<64x32xf32, #tpu.memory_space<vmem>>, vector<64x32xf32>
      %select_n3A_84 = arith.select %eq3A_64, %add3A_80, %get3A_83 : vector<64x32xi1>, vector<64x32xf32>
      %swap3A_85 = arith.constant 0 : index
      %swap3A_86 = arith.constant 0 : index
      %swap3A_87 = vector.load %arg13[%swap3A_85, %swap3A_86] : memref<64x32xf32, #tpu.memory_space<vmem>>, vector<64x32xf32>
      tpu.vector_store %arg13[%swap3A_85, %swap3A_86], %select_n3A_84 {strides = array<i32>} : memref<64x32xf32, #tpu.memory_space<vmem>>, vector<64x32xf32>,
      %get3A_88 = arith.constant 0 : index
      %get3A_89 = arith.constant 0 : index
      %get3A_90 = vector.load %arg14[%get3A_88, %get3A_89] : memref<64x32xf32, #tpu.memory_space<vmem>>, vector<64x32xf32>
      %add3A_91 = vector.broadcast %reduce_sum3A_62 : f32 to vector<64x32xf32>
      %add3A_92 = arith.addf %get3A_90, %add3A_91 : vector<64x32xf32>
      %get3A_93 = arith.constant 0 : index
      %get3A_94 = arith.constant 0 : index
      %get3A_95 = vector.load %arg14[%get3A_93, %get3A_94] : memref<64x32xf32, #tpu.memory_space<vmem>>, vector<64x32xf32>
      %select_n3A_96 = arith.select %eq3A_64, %add3A_92, %get3A_95 : vector<64x32xi1>, vector<64x32xf32>
      %swap3A_97 = arith.constant 0 : index
      %swap3A_98 = arith.constant 0 : index
      %swap3A_99 = vector.load %arg14[%swap3A_97, %swap3A_98] : memref<64x32xf32, #tpu.memory_space<vmem>>, vector<64x32xf32>
      tpu.vector_store %arg14[%swap3A_97, %swap3A_98], %select_n3A_96 {strides = array<i32>} : memref<64x32xf32, #tpu.memory_space<vmem>>, vector<64x32xf32>,
      %while3A_100 = arith.constant 0 : i32
      scf.yield %while3A_100 : i32
    }
    %eq3A_39 = arith.constant 49 : i32
    %eq3A_40 = arith.cmpi eq, %arg0, %eq3A_39 : i32
    %convert_element_type3A_41 = arith.extui %eq3A_40 : i1 to i32
    %cond3A_42 = arith.constant 0 : i32
    %cond3A_43 = arith.cmpi ne, %convert_element_type3A_41, %cond3A_42 : i32
    scf.if %cond3A_43 {
      %get3A_44 = arith.constant 0 : index
      %get3A_45 = arith.constant 0 : index
      %get3A_46 = vector.load %arg12[%get3A_44, %get3A_45] : memref<64x32xf32, #tpu.memory_space<vmem>>, vector<64x32xf32>
      %get3A_47 = arith.constant 0 : index
      %get3A_48 = arith.constant 0 : index
      %get3A_49 = vector.load %arg13[%get3A_47, %get3A_48] : memref<64x32xf32, #tpu.memory_space<vmem>>, vector<64x32xf32>
      %get3A_50 = arith.constant 0 : index
      %get3A_51 = arith.constant 0 : index
      %get3A_52 = vector.load %arg14[%get3A_50, %get3A_51] : memref<64x32xf32, #tpu.memory_space<vmem>>, vector<64x32xf32>
      %max3A_53 = arith.constant 1.000000e+00 : f32
      %max3A_54 = vector.broadcast %max3A_53 : f32 to vector<64x32xf32>
      %max3A_55 = arith.maximumf %get3A_52, %max3A_54 : vector<64x32xf32>
      %div3A = arith.divf %get3A_49, %max3A_55 : vector<64x32xf32>
      %get3A_56 = arith.constant 0 : index
      %get3A_57 = arith.constant 0 : index
      %get3A_58 = vector.load %arg4[%get3A_56, %get3A_57] : memref<64x1xf32, #tpu.memory_space<vmem>>, vector<64x1xf32>
      %get3A_59 = arith.constant 0 : index
      %get3A_60 = arith.constant 0 : index
      %get3A_61 = vector.load %arg5[%get3A_59, %get3A_60] : memref<1x4xf32, #tpu.memory_space<vmem>>, vector<1x4xf32>
      %mul3A = vector.broadcast %get3A_58 : vector<64x1xf32> to vector<64x4xf32>
      %mul3A_62 = vector.broadcast %get3A_61 : vector<1x4xf32> to vector<64x4xf32>
      %mul3A_63 = arith.mulf %mul3A, %mul3A_62 : vector<64x4xf32>
      %get3A_64 = arith.constant 0 : index
      %get3A_65 = arith.constant 0 : index
      %get3A_66 = vector.load %arg6[%get3A_64, %get3A_65] : memref<1x4xf32, #tpu.memory_space<vmem>>, vector<1x4xf32>
      %add3A_67 = vector.broadcast %get3A_66 : vector<1x4xf32> to vector<64x4xf32>
      %add3A_68 = arith.addf %mul3A_63, %add3A_67 : vector<64x4xf32>
      %max3A_69 = arith.constant 0.000000e+00 : f32
      %max3A_70 = vector.broadcast %max3A_69 : f32 to vector<64x4xf32>
      %max3A_71 = arith.maximumf %add3A_68, %max3A_70 : vector<64x4xf32>
      %get3A_72 = arith.constant 0 : index
      %get3A_73 = arith.constant 0 : index
      %get3A_74 = vector.load %arg7[%get3A_72, %get3A_73] : memref<68x32xf32, #tpu.memory_space<vmem>>, vector<68x32xf32>
      %slice3A = vector.extract_strided_slice %get3A_74 {offsets = [0, 0], sizes = [32, 32], strides = [1, 1]} : vector<68x32xf32> to vector<32x32xf32>
      %dot_general3A = arith.constant dense<0.000000e+00> : vector<64x32xf32>
      %dot_general3A_75 = tpu.matmul %get3A_46, %slice3A, %dot_general3A {dimension_numbers = #tpu.dot_dimension_numbers<[1], [0], [0], [1], [0, 0, 1, 1], [], []>, transpose_lhs_hint = false} : vector<64x32xf32>, vector<32x32xf32>, vector<64x32xf32> -> vector<64x32xf32>
      %slice3A_76 = vector.extract_strided_slice %get3A_74 {offsets = [32, 0], sizes = [32, 32], strides = [1, 1]} : vector<68x32xf32> to vector<32x32xf32>
      %dot_general3A_77 = arith.constant dense<0.000000e+00> : vector<64x32xf32>
      %dot_general3A_78 = tpu.matmul %div3A, %slice3A_76, %dot_general3A_77 {dimension_numbers = #tpu.dot_dimension_numbers<[1], [0], [0], [1], [0, 0, 1, 1], [], []>, transpose_lhs_hint = false} : vector<64x32xf32>, vector<32x32xf32>, vector<64x32xf32> -> vector<64x32xf32>
      %add3A_79 = arith.addf %dot_general3A_75, %dot_general3A_78 : vector<64x32xf32>
      %slice3A_80 = vector.extract_strided_slice %get3A_74 {offsets = [64, 0], sizes = [4, 32], strides = [1, 1]} : vector<68x32xf32> to vector<4x32xf32>
      %dot_general3A_81 = arith.constant dense<0.000000e+00> : vector<64x32xf32>
      %dot_general3A_82 = tpu.matmul %max3A_71, %slice3A_80, %dot_general3A_81 {dimension_numbers = #tpu.dot_dimension_numbers<[1], [0], [0], [1], [0, 0, 1, 1], [], []>, transpose_lhs_hint = false} : vector<64x4xf32>, vector<4x32xf32>, vector<64x32xf32> -> vector<64x32xf32>
      %add3A_83 = arith.addf %add3A_79, %dot_general3A_82 : vector<64x32xf32>
      %get3A_84 = arith.constant 0 : index
      %get3A_85 = arith.constant 0 : index
      %get3A_86 = vector.load %arg8[%get3A_84, %get3A_85] : memref<1x32xf32, #tpu.memory_space<vmem>>, vector<1x32xf32>
      %add3A_87 = vector.broadcast %get3A_86 : vector<1x32xf32> to vector<64x32xf32>
      %add3A_88 = arith.addf %add3A_83, %add3A_87 : vector<64x32xf32>
      %max3A_89 = arith.constant 0.000000e+00 : f32
      %max3A_90 = vector.broadcast %max3A_89 : f32 to vector<64x32xf32>
      %max3A_91 = arith.maximumf %add3A_88, %max3A_90 : vector<64x32xf32>
      %get3A_92 = arith.constant 0 : index
      %get3A_93 = arith.constant 0 : index
      %get3A_94 = vector.load %arg9[%get3A_92, %get3A_93] : memref<32x1xf32, #tpu.memory_space<vmem>>, vector<32x1xf32>
      %dot_general3A_95 = arith.constant dense<0.000000e+00> : vector<64x1xf32>
      %dot_general3A_96 = tpu.matmul %max3A_91, %get3A_94, %dot_general3A_95 {dimension_numbers = #tpu.dot_dimension_numbers<[1], [0], [0], [1], [0, 0, 1, 1], [], []>, transpose_lhs_hint = false} : vector<64x32xf32>, vector<32x1xf32>, vector<64x1xf32> -> vector<64x1xf32>
      %get3A_97 = arith.constant 0 : index
      %get3A_98 = arith.constant 0 : index
      %get3A_99 = vector.load %arg10[%get3A_97, %get3A_98] : memref<1x1xf32, #tpu.memory_space<vmem>>, vector<1x1xf32>
      %add3A_100 = vector.broadcast %get3A_99 : vector<1x1xf32> to vector<64x1xf32>
      %add3A_101 = arith.addf %dot_general3A_96, %add3A_100 : vector<64x1xf32>
      %swap3A = arith.constant 0 : index
      %swap3A_102 = arith.constant 0 : index
      %swap3A_103 = vector.load %arg11[%swap3A, %swap3A_102] : memref<64x1xf32, #tpu.memory_space<vmem>>, vector<64x1xf32>
      tpu.vector_store %arg11[%swap3A, %swap3A_102], %add3A_101 {strides = array<i32>} : memref<64x1xf32, #tpu.memory_space<vmem>>, vector<64x1xf32>,
    } else {
    }
    return
  }
  func.func @transform_0(%arg0: i32) -> (i32, i32, i32) {
    %c0_i32 = arith.constant 0 : i32
    %c0_i32_0 = arith.constant 0 : i32
    %c0_i32_1 = arith.constant 0 : i32
    return %c0_i32, %arg0, %c0_i32_0 : i32, i32, i32
  }
  func.func @transform_1(%arg0: i32) -> (i32, i32) {
    %c0_i32 = arith.constant 0 : i32
    %c0_i32_0 = arith.constant 0 : i32
    return %arg0, %c0_i32 : i32, i32
  }
  func.func @transform_2(%arg0: i32) -> (i32, i32) {
    %c0_i32 = arith.constant 0 : i32
    %c0_i32_0 = arith.constant 0 : i32
    return %arg0, %c0_i32 : i32, i32
  }
  func.func @transform_3(%arg0: i32) -> (i32, i32) {
    %c0_i32 = arith.constant 0 : i32
    %c0_i32_0 = arith.constant 0 : i32
    %c0_i32_1 = arith.constant 0 : i32
    return %c0_i32, %c0_i32_0 : i32, i32
  }
  func.func @transform_4(%arg0: i32) -> (i32, i32) {
    %c0_i32 = arith.constant 0 : i32
    %c0_i32_0 = arith.constant 0 : i32
    %c0_i32_1 = arith.constant 0 : i32
    return %c0_i32, %c0_i32_0 : i32, i32
  }
  func.func @transform_5(%arg0: i32) -> (i32, i32) {
    %c0_i32 = arith.constant 0 : i32
    %c0_i32_0 = arith.constant 0 : i32
    %c0_i32_1 = arith.constant 0 : i32
    return %c0_i32, %c0_i32_0 : i32, i32
  }
  func.func @transform_6(%arg0: i32) -> (i32, i32) {
    %c0_i32 = arith.constant 0 : i32
    %c0_i32_0 = arith.constant 0 : i32
    %c0_i32_1 = arith.constant 0 : i32
    return %c0_i32, %c0_i32_0 : i32, i32
  }
  func.func @transform_7(%arg0: i32) -> (i32, i32) {
    %c0_i32 = arith.constant 0 : i32
    %c0_i32_0 = arith.constant 0 : i32
    %c0_i32_1 = arith.constant 0 : i32
    return %c0_i32, %c0_i32_0 : i32, i32
  }
  func.func @transform_8(%arg0: i32) -> (i32, i32) {
    %c0_i32 = arith.constant 0 : i32
    %c0_i32_0 = arith.constant 0 : i32
    %c0_i32_1 = arith.constant 0 : i32
    return %c0_i32, %c0_i32_0 : i32, i32
  }
  func.func @transform_9(%arg0: i32) -> (i32, i32) {
    %c0_i32 = arith.constant 0 : i32
    %c0_i32_0 = arith.constant 0 : i32
    %c0_i32_1 = arith.constant 0 : i32
    return %c0_i32, %c0_i32_0 : i32, i32
  }
  func.func @transform_10(%arg0: i32) -> (i32, i32) {
    %c0_i32 = arith.constant 0 : i32
    %c0_i32_0 = arith.constant 0 : i32
    %c0_i32_1 = arith.constant 0 : i32
    return %c0_i32, %c0_i32_0 : i32, i32
  }
}

</mosaic_0001>

<sc_bundles>
// kernel: kernel.11.cloned.1.call-start
scs
__scs_entry_jumppad:
0x0: {  	(pc) =	sbr.rel $0x88, $3  }
0x1: {  	(tag) =	ssettag $0x0;
	lr =	simm.s32 $0x1  }
0x2: {  	[smem:$0x3F8B] =	sst lr;
	_ =	strace $0xD0000000  }
0x3: {  	_ = 	snop  }
0x4: {  	_ = 	snop  }
0x5: {  	_ = 	snop  }
0x6: {  	_ = 	snop  }
0x7: {  	_ = 	snop  }
__scs_overlays_trampoline_lowered:
0x8: {  	[smem:$0x3F9A] =	sst s0  }
0x9: {  	[smem:$0x3F9B] =	sst s1  }
0xa: {  	[smem:$0x3F9C] =	sst s2  }
0xb: {  	[smem:$0x3F9D] =	sst s3  }
0xc: {  	[smem:$0x3F9E] =	sst s4  }
0xd: {  	[smem:$0x3F9F] =	sst s5  }
0xe: {  	[smem:$0x3FA0] =	sst s6  }
0xf: {  	[smem:$0x3FA1] =	sst s7  }
0x10: {  	[smem:$0x3FA2] =	sst s8  }
0x11: {  	[smem:$0x3FA3] =	sst s9;
	s0 =	simm.s32 @!p0 $0x0  }
0x12: {  	s1 =	sld [smem:$0x3F89];
	s0 =	simm.s32 @p0 $0x1  }
0x13: {  	[smem:$0x3FA4] =	sst s0;
	s0 =	simm.s32 @!p1 $0x0  }
0x14: {  	s2 =	sld [smem:$0x3F88];
	s0 =	simm.s32 @p1 $0x1  }
0x15: {  	[smem:$0x3FA5] =	sst s0;
	s0 =	simm.s32 @!p2 $0x0  }
0x16: {  	s3 =	sld [smem:$0x3FDB];
	s0 =	simm.s32 @p2 $0x1  }
0x17: {  	s4 =	simm.s32 $0x1BF5;
	[smem:$0x3FA7] =	sst s0  }
0x18: {  	s0 =	sld [smem:$0x3F8A];
	_ =	swait.ge [sflag:s4], $0x0  }
0x19: {  	s7 =	sld [smem:$0x3F8B]  }
0x1a: {  	s8 =	sadd.s32 $0xFFFFE003, lr  }
0x1b: {  	s9 =	sadd.s32 $0xFFFFFEF7, lr;
	s5 =	simm.s32 $0xFFFFFFFF;
	p2 =	slt.u32 s8, $0xFFFFF086  }
0x1c: {  	p1 =	slt.u32 s9, $0xF7A;
	s5 =	simm.s32 @!p2 $0x0  }
0x1d: {  	s5 =	simm.s32 @p1 $0x1;
	p0 =	seq.s32 s7, s2  }
0x1e: {  	s7 =	smul.u32 @!p0 $0xF7A, s2;
	p2 =	seq.s32 @!p0 s5, $0x0  }
0x1f: {  	s9 =	smul.u32 $0xF7A, s1;
	s8 =	simm.s32 @!p0 $0x1BF5;
	p2 =	por !p2, p0  }
0x20: {  	[sflag:s8] =	ssyncset.s32 @!p0 $0xFFFFF086;
	s6 =	sadd.s32 @!p0 s3, s7;
	s7 =	simm.s32 @!p0 $0x108  }
0x21: {  	s3 =	sadd.s32 s3, s9;
	s6 =	sadd.s32 @!p0 $0x88, s6;
	s7 =	simm.s32 @p2 $0x1082  }
0x22: {  	[simem:s7], [sflag:s8] =	dma.local @!p0 [hbm:s6], $0xF7A  }
0x23: {  	s9 =	sor.u32 $0xD0000000, s2;
	s6 =	simm.s32 $0x108;
	_ =	swait.ge @!p0 [sflag:s8], $0x0  }
0x24: {  	s3 =	sadd.s32 $0x88, s3;
	s6 =	simm.s32 @!p1 $0x1082;
	[sflag:s4] =	ssyncset.s32 $0xFFFFF086  }
0x25: {  	[simem:s6], [sflag:s4] =	dma.local [hbm:s3], $0xF7A  }
0x26: {  	[smem:$0x3F8B] =	sst s1;
	(tag) =	ssettag s2;
	_ =	strace s9  }
0x27: {  	s1 =	sld [smem:$0x3F9B]  }
0x28: {  	s2 =	sld [smem:$0x3F9C]  }
0x29: {  	s4 =	sld [smem:$0x3F9E]  }
0x2a: {  	p0 =	seq.s32 s5, $0x0;
	s5 =	sld [smem:$0x3F9F]  }
0x2b: {  	s6 =	sld [smem:$0x3FA0]  }
0x2c: {  	s7 =	sld [smem:$0x3FA1]  }
0x2d: {  	s3 =	simm.s32 $0x108;
	s8 =	sld [smem:$0x3FA2]  }
0x2e: {  	s3 =	simm.s32 @!p0 $0x1082;
	s9 =	sld [smem:$0x3FA3]  }
0x2f: {  	lr =	sadd.s32 s0, s3;
	s0 =	sld [smem:$0x3F9A]  }
0x30: {  	s3 =	sld [smem:$0x3F9D]  }
0x31: {  	[smem:$0x3FA6] =	sst s10  }
0x32: {  	s10 =	sld [smem:$0x3FA4];
	_ =	sdelay $0x3  }
0x33: {  	p0 =	seq.s32 s10, $0x1;
	s10 =	sld [smem:$0x3FA6];
	_ =	sdelay $0x3  }
0x34: {  	[smem:$0x3FA6] =	sst s10  }
0x35: {  	s10 =	sld [smem:$0x3FA5];
	_ =	sdelay $0x3  }
0x36: {  	p1 =	seq.s32 s10, $0x1;
	s10 =	sld [smem:$0x3FA6];
	_ =	sdelay $0x3  }
0x37: {  	[smem:$0x3FA6] =	sst s10  }
0x38: {  	s10 =	sld [smem:$0x3FA7]  }
0x39: {  	_ = 	snop;
	(pc) =	sbr.ind lr, $3  }
0x3a: {  	_ = 	snop  }
0x3b: {  	_ = 	snop  }
0x3c: {  	p2 =	seq.s32 s10, $0x1;
	s10 =	sld [smem:$0x3FA6]  }
0x3d: {  	_ =	shalt  }
0x3e: {  	_ =	shalt  }
0x3f: {  	_ =	shalt  }
0x40: {  	_ =	shalt  }
0x41: {  	_ =	shalt  }
0x42: {  	_ =	shalt  }
0x43: {  	_ =	shalt  }
0x44: {  	_ =	shalt  }
0x45: {  	_ =	shalt  }
0x46: {  	_ =	shalt  }
0x47: {  	_ =	shalt  }
0x48: {  	_ =	shalt  }
0x49: {  	_ =	shalt  }
0x4a: {  	_ =	shalt  }
0x4b: {  	_ =	shalt  }
0x4c: {  	_ =	shalt  }
0x4d: {  	_ =	shalt  }
0x4e: {  	_ =	shalt  }
0x4f: {  	_ =	shalt  }
0x50: {  	_ =	shalt  }
0x51: {  	_ =	shalt  }
0x52: {  	_ =	shalt  }
0x53: {  	_ =	shalt  }
0x54: {  	_ =	shalt  }
0x55: {  	_ =	shalt  }
0x56: {  	_ =	shalt  }
0x57: {  	_ =	shalt  }
0x58: {  	_ =	shalt  }
0x59: {  	_ =	shalt  }
0x5a: {  	_ =	shalt  }
0x5b: {  	_ =	shalt  }
0x5c: {  	_ =	shalt  }
0x5d: {  	_ =	shalt  }
0x5e: {  	_ =	shalt  }
0x5f: {  	_ =	shalt  }
0x60: {  	_ =	shalt  }
0x61: {  	_ =	shalt  }
0x62: {  	_ =	shalt  }
0x63: {  	_ =	shalt  }
0x64: {  	_ =	shalt  }
0x65: {  	_ =	shalt  }
0x66: {  	_ =	shalt  }
0x67: {  	_ =	shalt  }
0x68: {  	_ =	shalt  }
0x69: {  	_ =	shalt  }
0x6a: {  	_ =	shalt  }
0x6b: {  	_ =	shalt  }
0x6c: {  	_ =	shalt  }
0x6d: {  	_ =	shalt  }
0x6e: {  	_ =	shalt  }
0x6f: {  	_ =	shalt  }
0x70: {  	_ =	shalt  }
0x71: {  	_ =	shalt  }
0x72: {  	_ =	shalt  }
0x73: {  	_ =	shalt  }
0x74: {  	_ =	shalt  }
0x75: {  	_ =	shalt  }
0x76: {  	_ =	shalt  }
0x77: {  	_ =	shalt  }
0x78: {  	_ =	shalt  }
0x79: {  	_ =	shalt  }
0x7a: {  	_ =	shalt  }
0x7b: {  	_ =	shalt  }
0x7c: {  	_ =	shalt  }
0x7d: {  	_ =	shalt  }
0x7e: {  	_ =	shalt  }
0x7f: {  	_ =	shalt  }
0x80: {  	_ =	shalt  }
0x81: {  	_ =	shalt  }
0x82: {  	_ =	shalt  }
0x83: {  	_ =	shalt  }
0x84: {  	_ =	shalt  }
0x85: {  	_ =	shalt  }
0x86: {  	_ =	shalt  }
0x87: {  	_ =	shalt  }
.Lfunc_end0:
.L_simem_size_0:
called_computation_lowered:
.L_overlay_start_0:
0x88: {  	s2 =	sld [smem:$0x3FD9]  }
0x89: {  	s3 =	sld [smem:$0x3FFE];
	_ =	sdelay $0x1  }
0x8a: {  	s1 =	srdreg.scid  }
0x8b: {  	s0 =	sand.u32 $0x1, s1  }
0x8c: {  	s16 =	sshll.u32 s0, $0xA;
	s2 =	sadd.s32 s3, s2  }
0x8d: {  	s2 =	sadd.s32 s2, s16  }
0x8e: {  	[smem:$0x3FB2] =	sst s2  }
0x8f: {  	_ = 	snop  }
0x90: {  	(tm) =	ssettm $0x1  }
0x91: {  	s17 =	sld [smem:$0x3FFB];
	_ =	sdelay $0x3  }
0x92: {  	_ =	strace s17  }
0x93: {  	s2 =	sld [smem:$0x3FFC];
	_ =	sdelay $0x3  }
0x94: {  	_ =	strace s2  }
0x95: {  	s2 =	sld [smem:$0x3FFD];
	_ =	sdelay $0x3  }
0x96: {  	_ =	strace s2  }
0x97: {  	_ =	strace $0x8FFFFFFF  }
0x98: {  	s18 =	sld [smem:$0x3FDB];
	_ =	sdelay $0x1  }
0x99: {  	s19 =	simm.s32 $_scs_section_size  }
0x9a: {  	s4 =	simm.s32 $_size__tile_overlayer_lowered;
	s5 =	simm.s32 $_tile_overlayer_lowered  }
0x9b: {  	s22 =	simm.s32 $0x1BFF;
	s21 =	sshll.u32 s5, $0x1;
	s2 =	sadd.s32 s19, s18  }
0x9c: {  	s6 =	simm.s32 $0x0;
	s20 =	sshll.u32 s4, $0x1;
	s4 =	sadd.s32 s21, s2  }
0x9d: {  	[timem:s6], [sflag:s22] =	dma.local [hbm:s4], s20  }
0x9e: {  	_ =	swait.ge [sflag:s22], s20  }
0x9f: {  	s3 =	ssub.s32 $0x0, s20;
	[sflag:s22] =	ssyncset.done $0x0  }
0xa0: {  	[sflag:s22] =	ssyncadd.s32 s3;
	_ =	sdelay $0x1  }
0xa1: {  	s23 =	simm.s32 $0x1B8B  }
0xa2: {  	_ =	swait.ge [sflag:s23], $0x1  }
0xa3: {  	[sflag:s23] =	ssyncset.done $0x0  }
0xa4: {  	s25 =	simm.s32 $0x1B8E;
	s24 =	sld [smem:$0x3FFE];
	[sflag:s23] =	ssyncadd.s32 $0xFFFFFFFF  }
0xa5: {  	s26 =	simm.s32 $execute0_lowered;
	[smem:$0x3FD2] =	sst s25  }
0xa6: {  	s4 =	sshll.u32 s26, $0x1;
	_ =	strace $0x80000046;
	[dreg:$0x1] =	wrdreg $0xFFFFFFFF  }
0xa7: {  	s28 =	simm.s32 $_size_execute0_lowered;
	s2 =	sadd.s32 s2, s4;
	[dreg:$0x0] =	wrdreg $0x0  }
0xa8: {  	s4 =	sshll.u32 s28, $0x1;
	[dreg:$0x2] =	wrdreg s2  }
0xa9: {  	[dreg:$0x3] =	wrdreg s4  }
0xaa: {  	[dreg:$0x4] =	wrdreg $0xC0  }
0xab: {  	_ =	task [dreg:s6], $0x5FFFF  }
0xac: {  	[dreg:$0x1] =	wrdreg $0xFFFFFFFF  }
0xad: {  	[dreg:$0x0] =	wrdreg $0x60  }
0xae: {  	[dreg:$0x2] =	wrdreg s24  }
0xaf: {  	[dreg:$0x3] =	wrdreg $0x0  }
0xb0: {  	[dreg:$0x4] =	wrdreg $0x9  }
0xb1: {  	_ =	task.clear_ibuf [dreg:s6], $0x5FFFF;
	_ =	strace $0x90000046  }
0xb2: {  	s29 =	simm.s32 $0x9;
	_ =	strace $0x80000048  }
0xb3: {  	_ =	swait.ge [sflag:s29], $0x1  }
0xb4: {  	[sflag:s29] =	ssyncadd.s32 $0xFFFFFFFF  }
0xb5: {  	_ =	strace $0x90000048  }
0xb6: {  	_ =	sfence  }
0xb7: {  	s30 =	sld [smem:$0x0];
	_ =	sdelay $0x2  }
0xb8: {  	s31 =	sshll.u32 s1, $0xD;
	s1 =	sshrl.u32 s1, $0x2  }
0xb9: {  	s3 =	sand.u32 $0x4000, s31;
	s1 =	sadd.s32 s1, s30  }
0xba: {  	s0 =	sor.u32 s3, s0;
	s1 =	sshll.u32 s1, $0x11  }
0xbb: {  	s0 =	sor.u32 s1, s0  }
0xbc: {  	s0 =	sadd.s32 $0x8F2B, s0  }
0xbd: {  	[sflag:s0] =	ssyncadd.remote.s32 $0x1  }
0xbe: {  	_ =	sfence.sel $0xFFFF  }
0xbf: {  	[dreg:$0x0] =	wrdreg $0xFFFFFFFF;
	(pc) =	sbr.abs _section_cstart, $3  }
0xc0: {  	[dreg:$0x1] =	wrdreg $0xFFFFFFFF  }
0xc1: {  	_ =	task.clear_ibuf [dreg:s6], $0x2FFFF;
	_ =	strace $0x9FFFFFFF  }
0xc2: {  	(tm) =	ssettm $0x7FFFFFFF  }
0xc3: {  	_ =	shalt  }
tec
execute0_lowered:
.L_overlay_start_1:
0x0: {  	(tag) =	ssettag $0x1  }
0x1: {  	s1 =	srdreg.scid  }
0x2: {  	s0 =	stileid.u32;
	s5 =	rddreg [dreg:$0x0]  }
0x3: {  	s2 =	rddreg [dreg:$0x1];
	s3 =	simm.s32 $0x0;
	s13 =	simm.s32 $0x18700  }
0x4: {  	s14 =	simm.s32 $0x18780;
	s15 =	simm.s32 $0x80;
	s16 =	simm.s32 $0x18800  }
0x5: {  	s17 =	simm.s32 $0x1;
	s18 =	simm.s32 $0x0;
	s7 =	smul.u32 $0x18700, s0  }
0x6: {  	s6 =	sand.u32 $0x1, s1;
	s1 =	rddreg [dreg:$0x2];
	s9 =	smul.u32 $0x30E0, s0  }
0x7: {  	[smem:$0x7FF] =	sst s3;
	s11 =	sshll.u32 s0, $0x6;
	s4 =	smul.u32 $0x187000, s6  }
0x8: {  	_ =	strace $0x80000047;
	s6 =	ssub.s32 $0x2, s6;
	s9 =	sadd.s32 s9, s5  }
0x9: {  	s31 =	sshrl.u32 s6, $0x1;
	s12 =	sadd.s32 s7, s2;
	s8 =	sadd.s32 s7, s4  }
0xa: {  	s4 =	sadd.s32 $0x65000, s5;
	s9 =	sadd.s32 $0xC6C00, s9;
	s8 =	sshrl.u32 s8, $0x3  }
0xb: {  	s10 =	sadd.s32 s8, s5;
	s5 =	sadd.s32 $0xF7A00, s5;
	s8 =	ssub.s32 s6, s31  }
0xc: {  	s6 =	sor.u32 $0x1C02, s11;
	s11 =	sshrl.u32 s12, $0x3;
	s12 =	simm.s32 $0x2  }
0xd: {  	s7 =	sadd.s32 $0xFAC00, s10;
	s8 =	smax.u32 s8, $0x1;
	s10 =	sadd.s32 $0x3400, s10  }
.LBB2_1:
0xe: {  	[spmem:s11], [sflag:s6] =	dma.local [hbm:s5], $0x30E0  }
0xf: {  	_ =	swait.ge [sflag:s12], $0x30E0  }
0x10: {  	[sflag:s12] =	ssyncset.done $0x0  }
0x11: {  	[sflag:s12] =	ssyncadd.s32 $0xFFFFCF20  }
0x12: {  	s19 =	sadd.s32 $0x0, s10;
	[bflag:$0x0] =	sbarrier.arrive $0xFFFF  }
0x13: {  	[tilespmem:s13], [sflag:$0x2] =	stream.linear.gather [hbm4b:s19+s3], $0x80, $0x38;
	[tilespmem:$0x19000] =	vst v63  }
0x14: {  	_ =	swait.ge [sflag:s12], $0x80  }
0x15: {  	[sflag:s12] =	ssyncset.done $0x0  }
0x16: {  	s31 =	sadd.s32 $0x0, s9;
	[sflag:s12] =	ssyncadd.s32 $0xFFFFFF80  }
0x17: {  	[tilespmem:s14], [sflag:$0x2] =	stream.linear.gather [hbm4b:s31+s3], $0x80, $0x38;
	[tilespmem:$0x19000] =	vst v63  }
0x18: {  	_ =	swait.ge [sflag:s12], $0x80  }
0x19: {  	[sflag:s12] =	ssyncset.done $0x0  }
0x1a: {  	[sflag:s12] =	ssyncadd.s32 $0xFFFFFF80  }
0x1b: {  	[tilespmem:s16], [sflag:$0x1] =	stream.indirect.gather [hbm4b:s4+s15], $0x10, s13, s15, $0xb8;
	[tilespmem:$0x19000] =	vst v63  }
0x1c: {  	_ =	swait.ge [sflag:s17], $0x800  }
0x1d: {  	[sflag:s17] =	ssyncset.done $0x0  }
0x1e: {  	[sflag:s17] =	ssyncadd.s32 $0xFFFFF800  }
0x1f: {  	[spmem:s2] =	stream.indirect.scatter.add.f32 [tilespmem:s16], [sflag:$0x2], $0x10, s14, s15, $0xb8;
	[tilespmem:$0x19000] =	vst v63  }
0x20: {  	_ =	swait.ge [sflag:s12], $0x800  }
0x21: {  	s20 =	simm.s32 $0x20;
	s19 =	simm.s32 $0x10;
	[sflag:s12] =	ssyncset.done $0x0  }
.LBB2_2:
0x22: {  	s21 =	sadd.s32 s19, s10  }
0x23: {  	[sflag:s12] =	ssyncadd.s32 $0xFFFFF800;
	s22 =	smov.u32 s20;
	s23 =	sadd.s32 $0x10, s20  }
0x24: {  	[tilespmem:s13], [sflag:$0x2] =	stream.linear.gather [hbm4b:s21+s3], $0x80, $0x38;
	[tilespmem:$0x19000] =	vst v63  }
0x25: {  	p0 =	sne.s32 s20, $0x30D0;
	_ =	swait.ge [sflag:s12], $0x80  }
0x26: {  	[sflag:s12] =	ssyncset.done $0x0  }
0x27: {  	s20 =	sadd.s32 s19, s9;
	s19 =	smov.u32 s22;
	[sflag:s12] =	ssyncadd.s32 $0xFFFFFF80  }
0x28: {  	[tilespmem:s14], [sflag:$0x2] =	stream.linear.gather [hbm4b:s20+s3], $0x80, $0x38;
	[tilespmem:$0x19000] =	vst v63  }
0x29: {  	_ =	swait.ge [sflag:s12], $0x80  }
0x2a: {  	[sflag:s12] =	ssyncset.done $0x0  }
0x2b: {  	[sflag:s12] =	ssyncadd.s32 $0xFFFFFF80  }
0x2c: {  	[tilespmem:s16], [sflag:$0x1] =	stream.indirect.gather [hbm4b:s4+s15], $0x10, s13, s15, $0xb8;
	[tilespmem:$0x19000] =	vst v63  }
0x2d: {  	_ =	swait.ge [sflag:s17], $0x800  }
.Ltmp0:
0x2e: {  	[sflag:s17] =	ssyncset.done $0x0;
	(pc) =	sbr.rel @p0 .LBB2_2-.Ltmp0, $4  }
0x2f: {  	[sflag:s17] =	ssyncadd.s32 $0xFFFFF800  }
0x30: {  	[spmem:s2] =	stream.indirect.scatter.add.f32 [tilespmem:s16], [sflag:$0x2], $0x10, s14, s15, $0xb8;
	[tilespmem:$0x19000] =	vst v63  }
0x31: {  	_ =	swait.ge [sflag:s12], $0x800  }
0x32: {  	s20 =	smov.u32 s23;
	[sflag:s12] =	ssyncset.done $0x0  }
0x33: {  	s20 =	sadd.s32 s19, s10;
	[sflag:s12] =	ssyncadd.s32 $0xFFFFF800  }
0x34: {  	[tilespmem:s13], [sflag:$0x2] =	stream.linear.gather [hbm4b:s20+s3], $0x80, $0x38;
	[tilespmem:$0x19000] =	vst v63  }
0x35: {  	_ =	swait.ge [sflag:s12], $0x80  }
0x36: {  	[sflag:s12] =	ssyncset.done $0x0  }
0x37: {  	s31 =	sadd.s32 s19, s9;
	[sflag:s12] =	ssyncadd.s32 $0xFFFFFF80  }
0x38: {  	[tilespmem:s14], [sflag:$0x2] =	stream.linear.gather [hbm4b:s31+s3], $0x80, $0x38;
	[tilespmem:$0x19000] =	vst v63  }
0x39: {  	_ =	swait.ge [sflag:s12], $0x80  }
0x3a: {  	[sflag:s12] =	ssyncset.done $0x0  }
0x3b: {  	[sflag:s12] =	ssyncadd.s32 $0xFFFFFF80  }
0x3c: {  	[tilespmem:s16], [sflag:$0x1] =	stream.indirect.gather [hbm4b:s4+s15], $0x10, s13, s15, $0xb8;
	[tilespmem:$0x19000] =	vst v63  }
0x3d: {  	_ =	swait.ge [sflag:s17], $0x800  }
0x3e: {  	[sflag:s17] =	ssyncset.done $0x0  }
0x3f: {  	[sflag:s17] =	ssyncadd.s32 $0xFFFFF800  }
0x40: {  	[spmem:s2] =	stream.indirect.scatter.add.f32 [tilespmem:s16], [sflag:$0x2], $0x10, s14, s15, $0xb8;
	[tilespmem:$0x19000] =	vst v63  }
0x41: {  	_ =	swait.ge [sflag:s12], $0x800  }
0x42: {  	s18 =	sadd.s32 $0x1, s18;
	[sflag:s12] =	ssyncset.done $0x0  }
0x43: {  	p0 =	sne.s32 s18, s8;
	[sflag:s12] =	ssyncadd.s32 $0xFFFFF800  }
.Ltmp1:
0x44: {  	[bflag:$0x0] =	sbarrier.arrive $0xFFFF;
	(pc) =	sbr.rel @p0 .LBB2_1-.Ltmp1, $4  }
0x45: {  	[hbm:s7], [sflag:s6] =	dma.local [spmem:s11], $0x30E0  }
0x46: {  	_ =	swait.ge [sflag:s12], $0x30E0  }
0x47: {  	[sflag:s12] =	ssyncset.done $0x0  }
0x48: {  	[sflag:s12] =	ssyncadd.s32 $0xFFFFCF20  }
0x49: {  	_ =	sfence.sel $0x180000  }
0x4a: {  	[bflag:$0x0] =	sbarrier.arrive $0xFFFF  }
0x4b: {  	p0 =	sne.s32 s0, $0x0;
	_ =	strace $0x90000047  }
0x4c: {  	s0 =	sadd.s32 @!p0 $0x100000, s1;
	[bflag:$0x2] =	sbarrier.arrive $0xFFFF  }
0x4d: {  	[sflag:s0] =	ssyncadd.tile.s32 @!p0 $0x1;
	_ =	shalt  }
.Lfunc_end2:
_tile_overlayer_lowered:
.L_overlay_start_2:
0x4e: {  	(tag) =	ssettag $0x2  }
0x4f: {  	s0 =	rddreg [dreg:$0x0];
	s2 =	stileid.u32  }
0x50: {  	s1 =	rddreg [dreg:$0x1];
	p0 =	sne.s32 s2, $0x0  }
0x51: {  	s3 =	rddreg [dreg:$0x2];
	[bflag:$0x3] =	sbarrier.arrive $0xFFFF;
	s2 =	simm.s32 @!p0 $0x1C02  }
0x52: {  	[timem:s3], [sflag:s2] =	dma.local @!p0 [hbm:s0], s1  }
0x53: {  	s0 =	simm.s32 @!p0 $0x2  }
0x54: {  	_ =	swait.ge @!p0 [sflag:s0], s1  }
0x55: {  	s1 =	ssub.s32 @!p0 $0x0, s1;
	[sflag:s0] =	ssyncset.done @!p0 $0x0  }
0x56: {  	[sflag:s0] =	ssyncadd.s32 @!p0 s1  }
0x57: {  	[bflag:$0x3] =	sbarrier.arrive $0xFFFF  }
0x58: {  	_ =	shalt  }

// kernel: kernel.14.cloned.1.call-start
scs
__scs_entry_jumppad:
0x0: {  	(pc) =	sbr.rel $0x88, $3  }
0x1: {  	(tag) =	ssettag $0x0;
	lr =	simm.s32 $0x1  }
0x2: {  	[smem:$0x3F8B] =	sst lr;
	_ =	strace $0xD0000000  }
0x3: {  	_ = 	snop  }
0x4: {  	_ = 	snop  }
0x5: {  	_ = 	snop  }
0x6: {  	_ = 	snop  }
0x7: {  	_ = 	snop  }
__scs_overlays_trampoline_lowered:
0x8: {  	[smem:$0x3F9A] =	sst s0  }
0x9: {  	[smem:$0x3F9B] =	sst s1  }
0xa: {  	[smem:$0x3F9C] =	sst s2  }
0xb: {  	[smem:$0x3F9D] =	sst s3  }
0xc: {  	[smem:$0x3F9E] =	sst s4  }
0xd: {  	[smem:$0x3F9F] =	sst s5  }
0xe: {  	[smem:$0x3FA0] =	sst s6  }
0xf: {  	[smem:$0x3FA1] =	sst s7  }
0x10: {  	[smem:$0x3FA2] =	sst s8  }
0x11: {  	[smem:$0x3FA3] =	sst s9;
	s0 =	simm.s32 @!p0 $0x0  }
0x12: {  	s1 =	sld [smem:$0x3F89];
	s0 =	simm.s32 @p0 $0x1  }
0x13: {  	[smem:$0x3FA4] =	sst s0;
	s0 =	simm.s32 @!p1 $0x0  }
0x14: {  	s2 =	sld [smem:$0x3F88];
	s0 =	simm.s32 @p1 $0x1  }
0x15: {  	[smem:$0x3FA5] =	sst s0;
	s0 =	simm.s32 @!p2 $0x0  }
0x16: {  	s3 =	sld [smem:$0x3FDB];
	s0 =	simm.s32 @p2 $0x1  }
0x17: {  	s4 =	simm.s32 $0x1BF5;
	[smem:$0x3FA7] =	sst s0  }
0x18: {  	s0 =	sld [smem:$0x3F8A];
	_ =	swait.ge [sflag:s4], $0x0  }
0x19: {  	s7 =	sld [smem:$0x3F8B]  }
0x1a: {  	s8 =	sadd.s32 $0xFFFFE003, lr  }
0x1b: {  	s9 =	sadd.s32 $0xFFFFFEF7, lr;
	s5 =	simm.s32 $0xFFFFFFFF;
	p2 =	slt.u32 s8, $0xFFFFF086  }
0x1c: {  	p1 =	slt.u32 s9, $0xF7A;
	s5 =	simm.s32 @!p2 $0x0  }
0x1d: {  	s5 =	simm.s32 @p1 $0x1;
	p0 =	seq.s32 s7, s2  }
0x1e: {  	s7 =	smul.u32 @!p0 $0xF7A, s2;
	p2 =	seq.s32 @!p0 s5, $0x0  }
0x1f: {  	s9 =	smul.u32 $0xF7A, s1;
	s8 =	simm.s32 @!p0 $0x1BF5;
	p2 =	por !p2, p0  }
0x20: {  	[sflag:s8] =	ssyncset.s32 @!p0 $0xFFFFF086;
	s6 =	sadd.s32 @!p0 s3, s7;
	s7 =	simm.s32 @!p0 $0x108  }
0x21: {  	s3 =	sadd.s32 s3, s9;
	s6 =	sadd.s32 @!p0 $0x88, s6;
	s7 =	simm.s32 @p2 $0x1082  }
0x22: {  	[simem:s7], [sflag:s8] =	dma.local @!p0 [hbm:s6], $0xF7A  }
0x23: {  	s9 =	sor.u32 $0xD0000000, s2;
	s6 =	simm.s32 $0x108;
	_ =	swait.ge @!p0 [sflag:s8], $0x0  }
0x24: {  	s3 =	sadd.s32 $0x88, s3;
	s6 =	simm.s32 @!p1 $0x1082;
	[sflag:s4] =	ssyncset.s32 $0xFFFFF086  }
0x25: {  	[simem:s6], [sflag:s4] =	dma.local [hbm:s3], $0xF7A  }
0x26: {  	[smem:$0x3F8B] =	sst s1;
	(tag) =	ssettag s2;
	_ =	strace s9  }
0x27: {  	s1 =	sld [smem:$0x3F9B]  }
0x28: {  	s2 =	sld [smem:$0x3F9C]  }
0x29: {  	s4 =	sld [smem:$0x3F9E]  }
0x2a: {  	p0 =	seq.s32 s5, $0x0;
	s5 =	sld [smem:$0x3F9F]  }
0x2b: {  	s6 =	sld [smem:$0x3FA0]  }
0x2c: {  	s7 =	sld [smem:$0x3FA1]  }
0x2d: {  	s3 =	simm.s32 $0x108;
	s8 =	sld [smem:$0x3FA2]  }
0x2e: {  	s3 =	simm.s32 @!p0 $0x1082;
	s9 =	sld [smem:$0x3FA3]  }
0x2f: {  	lr =	sadd.s32 s0, s3;
	s0 =	sld [smem:$0x3F9A]  }
0x30: {  	s3 =	sld [smem:$0x3F9D]  }
0x31: {  	[smem:$0x3FA6] =	sst s10  }
0x32: {  	s10 =	sld [smem:$0x3FA4];
	_ =	sdelay $0x3  }
0x33: {  	p0 =	seq.s32 s10, $0x1;
	s10 =	sld [smem:$0x3FA6];
	_ =	sdelay $0x3  }
0x34: {  	[smem:$0x3FA6] =	sst s10  }
0x35: {  	s10 =	sld [smem:$0x3FA5];
	_ =	sdelay $0x3  }
0x36: {  	p1 =	seq.s32 s10, $0x1;
	s10 =	sld [smem:$0x3FA6];
	_ =	sdelay $0x3  }
0x37: {  	[smem:$0x3FA6] =	sst s10  }
0x38: {  	s10 =	sld [smem:$0x3FA7]  }
0x39: {  	_ = 	snop;
	(pc) =	sbr.ind lr, $3  }
0x3a: {  	_ = 	snop  }
0x3b: {  	_ = 	snop  }
0x3c: {  	p2 =	seq.s32 s10, $0x1;
	s10 =	sld [smem:$0x3FA6]  }
0x3d: {  	_ =	shalt  }
0x3e: {  	_ =	shalt  }
0x3f: {  	_ =	shalt  }
0x40: {  	_ =	shalt  }
0x41: {  	_ =	shalt  }
0x42: {  	_ =	shalt  }
0x43: {  	_ =	shalt  }
0x44: {  	_ =	shalt  }
0x45: {  	_ =	shalt  }
0x46: {  	_ =	shalt  }
0x47: {  	_ =	shalt  }
0x48: {  	_ =	shalt  }
0x49: {  	_ =	shalt  }
0x4a: {  	_ =	shalt  }
0x4b: {  	_ =	shalt  }
0x4c: {  	_ =	shalt  }
0x4d: {  	_ =	shalt  }
0x4e: {  	_ =	shalt  }
0x4f: {  	_ =	shalt  }
0x50: {  	_ =	shalt  }
0x51: {  	_ =	shalt  }
0x52: {  	_ =	shalt  }
0x53: {  	_ =	shalt  }
0x54: {  	_ =	shalt  }
0x55: {  	_ =	shalt  }
0x56: {  	_ =	shalt  }
0x57: {  	_ =	shalt  }
0x58: {  	_ =	shalt  }
0x59: {  	_ =	shalt  }
0x5a: {  	_ =	shalt  }
0x5b: {  	_ =	shalt  }
0x5c: {  	_ =	shalt  }
0x5d: {  	_ =	shalt  }
0x5e: {  	_ =	shalt  }
0x5f: {  	_ =	shalt  }
0x60: {  	_ =	shalt  }
0x61: {  	_ =	shalt  }
0x62: {  	_ =	shalt  }
0x63: {  	_ =	shalt  }
0x64: {  	_ =	shalt  }
0x65: {  	_ =	shalt  }
0x66: {  	_ =	shalt  }
0x67: {  	_ =	shalt  }
0x68: {  	_ =	shalt  }
0x69: {  	_ =	shalt  }
0x6a: {  	_ =	shalt  }
0x6b: {  	_ =	shalt  }
0x6c: {  	_ =	shalt  }
0x6d: {  	_ =	shalt  }
0x6e: {  	_ =	shalt  }
0x6f: {  	_ =	shalt  }
0x70: {  	_ =	shalt  }
0x71: {  	_ =	shalt  }
0x72: {  	_ =	shalt  }
0x73: {  	_ =	shalt  }
0x74: {  	_ =	shalt  }
0x75: {  	_ =	shalt  }
0x76: {  	_ =	shalt  }
0x77: {  	_ =	shalt  }
0x78: {  	_ =	shalt  }
0x79: {  	_ =	shalt  }
0x7a: {  	_ =	shalt  }
0x7b: {  	_ =	shalt  }
0x7c: {  	_ =	shalt  }
0x7d: {  	_ =	shalt  }
0x7e: {  	_ =	shalt  }
0x7f: {  	_ =	shalt  }
0x80: {  	_ =	shalt  }
0x81: {  	_ =	shalt  }
0x82: {  	_ =	shalt  }
0x83: {  	_ =	shalt  }
0x84: {  	_ =	shalt  }
0x85: {  	_ =	shalt  }
0x86: {  	_ =	shalt  }
0x87: {  	_ =	shalt  }
.Lfunc_end0:
.L_simem_size_0:
called_computation.1_lowered:
.L_overlay_start_0:
0x88: {  	s2 =	sld [smem:$0x3FD9]  }
0x89: {  	s3 =	sld [smem:$0x3FFE];
	_ =	sdelay $0x1  }
0x8a: {  	s1 =	srdreg.scid  }
0x8b: {  	s0 =	sand.u32 $0x1, s1  }
0x8c: {  	s16 =	sshll.u32 s0, $0xA;
	s2 =	sadd.s32 s3, s2  }
0x8d: {  	s2 =	sadd.s32 s2, s16  }
0x8e: {  	[smem:$0x3FB2] =	sst s2  }
0x8f: {  	_ = 	snop  }
0x90: {  	(tm) =	ssettm $0x1  }
0x91: {  	s17 =	sld [smem:$0x3FFB];
	_ =	sdelay $0x3  }
0x92: {  	_ =	strace s17  }
0x93: {  	s2 =	sld [smem:$0x3FFC];
	_ =	sdelay $0x3  }
0x94: {  	_ =	strace s2  }
0x95: {  	s2 =	sld [smem:$0x3FFD];
	_ =	sdelay $0x3  }
0x96: {  	_ =	strace s2  }
0x97: {  	_ =	strace $0x8FFFFFFF  }
0x98: {  	s18 =	sld [smem:$0x3FDB];
	_ =	sdelay $0x1  }
0x99: {  	s19 =	simm.s32 $_scs_section_size  }
0x9a: {  	s4 =	simm.s32 $_size__tile_overlayer_lowered;
	s5 =	simm.s32 $_tile_overlayer_lowered  }
0x9b: {  	s22 =	simm.s32 $0x1BFF;
	s21 =	sshll.u32 s5, $0x1;
	s2 =	sadd.s32 s19, s18  }
0x9c: {  	s6 =	simm.s32 $0x0;
	s20 =	sshll.u32 s4, $0x1;
	s4 =	sadd.s32 s21, s2  }
0x9d: {  	[timem:s6], [sflag:s22] =	dma.local [hbm:s4], s20  }
0x9e: {  	_ =	swait.ge [sflag:s22], s20  }
0x9f: {  	s3 =	ssub.s32 $0x0, s20;
	[sflag:s22] =	ssyncset.done $0x0  }
0xa0: {  	[sflag:s22] =	ssyncadd.s32 s3;
	_ =	sdelay $0x1  }
0xa1: {  	s23 =	simm.s32 $0x1B8B  }
0xa2: {  	_ =	swait.ge [sflag:s23], $0x1  }
0xa3: {  	[sflag:s23] =	ssyncset.done $0x0  }
0xa4: {  	s25 =	simm.s32 $0x1B8E;
	s24 =	sld [smem:$0x3FFE];
	[sflag:s23] =	ssyncadd.s32 $0xFFFFFFFF  }
0xa5: {  	s26 =	simm.s32 $execute0_lowered;
	[smem:$0x3FD2] =	sst s25  }
0xa6: {  	s4 =	sshll.u32 s26, $0x1;
	_ =	strace $0x80000049;
	[dreg:$0x1] =	wrdreg $0xFFFFFFFF  }
0xa7: {  	s28 =	simm.s32 $_size_execute0_lowered;
	s2 =	sadd.s32 s2, s4;
	[dreg:$0x0] =	wrdreg $0x0  }
0xa8: {  	s4 =	sshll.u32 s28, $0x1;
	[dreg:$0x2] =	wrdreg s2  }
0xa9: {  	[dreg:$0x3] =	wrdreg s4  }
0xaa: {  	[dreg:$0x4] =	wrdreg $0xC0  }
0xab: {  	_ =	task [dreg:s6], $0x5FFFF  }
0xac: {  	[dreg:$0x1] =	wrdreg $0xFFFFFFFF  }
0xad: {  	[dreg:$0x0] =	wrdreg $0x60  }
0xae: {  	[dreg:$0x2] =	wrdreg s24  }
0xaf: {  	[dreg:$0x3] =	wrdreg $0x0  }
0xb0: {  	[dreg:$0x4] =	wrdreg $0x9  }
0xb1: {  	_ =	task.clear_ibuf [dreg:s6], $0x5FFFF;
	_ =	strace $0x90000049  }
0xb2: {  	s29 =	simm.s32 $0x9;
	_ =	strace $0x8000004B  }
0xb3: {  	_ =	swait.ge [sflag:s29], $0x1  }
0xb4: {  	[sflag:s29] =	ssyncadd.s32 $0xFFFFFFFF  }
0xb5: {  	_ =	strace $0x9000004B  }
0xb6: {  	_ =	sfence  }
0xb7: {  	s30 =	sld [smem:$0x0];
	_ =	sdelay $0x2  }
0xb8: {  	s31 =	sshll.u32 s1, $0xD;
	s1 =	sshrl.u32 s1, $0x2  }
0xb9: {  	s3 =	sand.u32 $0x4000, s31;
	s1 =	sadd.s32 s1, s30  }
0xba: {  	s0 =	sor.u32 s3, s0;
	s1 =	sshll.u32 s1, $0x11  }
0xbb: {  	s0 =	sor.u32 s1, s0  }
0xbc: {  	s0 =	sadd.s32 $0x8F2B, s0  }
0xbd: {  	[sflag:s0] =	ssyncadd.remote.s32 $0x1  }
0xbe: {  	_ =	sfence.sel $0xFFFF  }
0xbf: {  	[dreg:$0x0] =	wrdreg $0xFFFFFFFF;
	(pc) =	sbr.abs _section_cstart, $3  }
0xc0: {  	[dreg:$0x1] =	wrdreg $0xFFFFFFFF  }
0xc1: {  	_ =	task.clear_ibuf [dreg:s6], $0x2FFFF;
	_ =	strace $0x9FFFFFFF  }
0xc2: {  	(tm) =	ssettm $0x7FFFFFFF  }
0xc3: {  	_ =	shalt  }
tec
execute0_lowered:
.L_overlay_start_1:
0x0: {  	(tag) =	ssettag $0x1  }
0x1: {  	s1 =	srdreg.scid  }
0x2: {  	s0 =	stileid.u32;
	s5 =	rddreg [dreg:$0x0]  }
0x3: {  	s2 =	rddreg [dreg:$0x1];
	s3 =	simm.s32 $0x0;
	s13 =	simm.s32 $0x18700  }
0x4: {  	s14 =	simm.s32 $0x18780;
	s15 =	simm.s32 $0x80;
	s16 =	simm.s32 $0x18800  }
0x5: {  	s17 =	simm.s32 $0x1;
	s18 =	simm.s32 $0x0;
	s7 =	smul.u32 $0x18700, s0  }
0x6: {  	s6 =	sand.u32 $0x1, s1;
	s1 =	rddreg [dreg:$0x2];
	s9 =	smul.u32 $0x30E0, s0  }
0x7: {  	[smem:$0x7FF] =	sst s3;
	s11 =	sshll.u32 s0, $0x6;
	s4 =	smul.u32 $0x187000, s6  }
0x8: {  	_ =	strace $0x8000004A;
	s6 =	ssub.s32 $0x2, s6;
	s9 =	sadd.s32 s9, s5  }
0x9: {  	s31 =	sshrl.u32 s6, $0x1;
	s12 =	sadd.s32 s7, s2;
	s8 =	sadd.s32 s7, s4  }
0xa: {  	s4 =	sadd.s32 $0x65000, s5;
	s9 =	sadd.s32 $0xC6C00, s9;
	s8 =	sshrl.u32 s8, $0x3  }
0xb: {  	s10 =	sadd.s32 s8, s5;
	s5 =	sadd.s32 $0xF7A00, s5;
	s8 =	ssub.s32 s6, s31  }
0xc: {  	s6 =	sor.u32 $0x1C02, s11;
	s11 =	sshrl.u32 s12, $0x3;
	s12 =	simm.s32 $0x2  }
0xd: {  	s7 =	sadd.s32 $0xFAC00, s10;
	s8 =	smax.u32 s8, $0x1;
	s10 =	sadd.s32 $0x3400, s10  }
.LBB2_1:
0xe: {  	[spmem:s11], [sflag:s6] =	dma.local [hbm:s5], $0x30E0  }
0xf: {  	_ =	swait.ge [sflag:s12], $0x30E0  }
0x10: {  	[sflag:s12] =	ssyncset.done $0x0  }
0x11: {  	[sflag:s12] =	ssyncadd.s32 $0xFFFFCF20  }
0x12: {  	s19 =	sadd.s32 $0x0, s10;
	[bflag:$0x0] =	sbarrier.arrive $0xFFFF  }
0x13: {  	[tilespmem:s13], [sflag:$0x2] =	stream.linear.gather [hbm4b:s19+s3], $0x80, $0x38;
	[tilespmem:$0x19000] =	vst v63  }
0x14: {  	_ =	swait.ge [sflag:s12], $0x80  }
0x15: {  	[sflag:s12] =	ssyncset.done $0x0  }
0x16: {  	s31 =	sadd.s32 $0x0, s9;
	[sflag:s12] =	ssyncadd.s32 $0xFFFFFF80  }
0x17: {  	[tilespmem:s14], [sflag:$0x2] =	stream.linear.gather [hbm4b:s31+s3], $0x80, $0x38;
	[tilespmem:$0x19000] =	vst v63  }
0x18: {  	_ =	swait.ge [sflag:s12], $0x80  }
0x19: {  	[sflag:s12] =	ssyncset.done $0x0  }
0x1a: {  	[sflag:s12] =	ssyncadd.s32 $0xFFFFFF80  }
0x1b: {  	[tilespmem:s16], [sflag:$0x1] =	stream.indirect.gather [hbm4b:s4+s15], $0x10, s13, s15, $0xb8;
	[tilespmem:$0x19000] =	vst v63  }
0x1c: {  	_ =	swait.ge [sflag:s17], $0x800  }
0x1d: {  	[sflag:s17] =	ssyncset.done $0x0  }
0x1e: {  	[sflag:s17] =	ssyncadd.s32 $0xFFFFF800  }
0x1f: {  	[spmem:s2] =	stream.indirect.scatter.add.f32 [tilespmem:s16], [sflag:$0x2], $0x10, s14, s15, $0xb8;
	[tilespmem:$0x19000] =	vst v63  }
0x20: {  	_ =	swait.ge [sflag:s12], $0x800  }
0x21: {  	s20 =	simm.s32 $0x20;
	s19 =	simm.s32 $0x10;
	[sflag:s12] =	ssyncset.done $0x0  }
.LBB2_2:
0x22: {  	s21 =	sadd.s32 s19, s10  }
0x23: {  	[sflag:s12] =	ssyncadd.s32 $0xFFFFF800;
	s22 =	smov.u32 s20;
	s23 =	sadd.s32 $0x10, s20  }
0x24: {  	[tilespmem:s13], [sflag:$0x2] =	stream.linear.gather [hbm4b:s21+s3], $0x80, $0x38;
	[tilespmem:$0x19000] =	vst v63  }
0x25: {  	p0 =	sne.s32 s20, $0x30D0;
	_ =	swait.ge [sflag:s12], $0x80  }
0x26: {  	[sflag:s12] =	ssyncset.done $0x0  }
0x27: {  	s20 =	sadd.s32 s19, s9;
	s19 =	smov.u32 s22;
	[sflag:s12] =	ssyncadd.s32 $0xFFFFFF80  }
0x28: {  	[tilespmem:s14], [sflag:$0x2] =	stream.linear.gather [hbm4b:s20+s3], $0x80, $0x38;
	[tilespmem:$0x19000] =	vst v63  }
0x29: {  	_ =	swait.ge [sflag:s12], $0x80  }
0x2a: {  	[sflag:s12] =	ssyncset.done $0x0  }
0x2b: {  	[sflag:s12] =	ssyncadd.s32 $0xFFFFFF80  }
0x2c: {  	[tilespmem:s16], [sflag:$0x1] =	stream.indirect.gather [hbm4b:s4+s15], $0x10, s13, s15, $0xb8;
	[tilespmem:$0x19000] =	vst v63  }
0x2d: {  	_ =	swait.ge [sflag:s17], $0x800  }
.Ltmp0:
0x2e: {  	[sflag:s17] =	ssyncset.done $0x0;
	(pc) =	sbr.rel @p0 .LBB2_2-.Ltmp0, $4  }
0x2f: {  	[sflag:s17] =	ssyncadd.s32 $0xFFFFF800  }
0x30: {  	[spmem:s2] =	stream.indirect.scatter.add.f32 [tilespmem:s16], [sflag:$0x2], $0x10, s14, s15, $0xb8;
	[tilespmem:$0x19000] =	vst v63  }
0x31: {  	_ =	swait.ge [sflag:s12], $0x800  }
0x32: {  	s20 =	smov.u32 s23;
	[sflag:s12] =	ssyncset.done $0x0  }
0x33: {  	s20 =	sadd.s32 s19, s10;
	[sflag:s12] =	ssyncadd.s32 $0xFFFFF800  }
0x34: {  	[tilespmem:s13], [sflag:$0x2] =	stream.linear.gather [hbm4b:s20+s3], $0x80, $0x38;
	[tilespmem:$0x19000] =	vst v63  }
0x35: {  	_ =	swait.ge [sflag:s12], $0x80  }
0x36: {  	[sflag:s12] =	ssyncset.done $0x0  }
0x37: {  	s31 =	sadd.s32 s19, s9;
	[sflag:s12] =	ssyncadd.s32 $0xFFFFFF80  }
0x38: {  	[tilespmem:s14], [sflag:$0x2] =	stream.linear.gather [hbm4b:s31+s3], $0x80, $0x38;
	[tilespmem:$0x19000] =	vst v63  }
0x39: {  	_ =	swait.ge [sflag:s12], $0x80  }
0x3a: {  	[sflag:s12] =	ssyncset.done $0x0  }
0x3b: {  	[sflag:s12] =	ssyncadd.s32 $0xFFFFFF80  }
0x3c: {  	[tilespmem:s16], [sflag:$0x1] =	stream.indirect.gather [hbm4b:s4+s15], $0x10, s13, s15, $0xb8;
	[tilespmem:$0x19000] =	vst v63  }
0x3d: {  	_ =	swait.ge [sflag:s17], $0x800  }
0x3e: {  	[sflag:s17] =	ssyncset.done $0x0  }
0x3f: {  	[sflag:s17] =	ssyncadd.s32 $0xFFFFF800  }
0x40: {  	[spmem:s2] =	stream.indirect.scatter.add.f32 [tilespmem:s16], [sflag:$0x2], $0x10, s14, s15, $0xb8;
	[tilespmem:$0x19000] =	vst v63  }
0x41: {  	_ =	swait.ge [sflag:s12], $0x800  }
0x42: {  	s18 =	sadd.s32 $0x1, s18;
	[sflag:s12] =	ssyncset.done $0x0  }
0x43: {  	p0 =	sne.s32 s18, s8;
	[sflag:s12] =	ssyncadd.s32 $0xFFFFF800  }
.Ltmp1:
0x44: {  	[bflag:$0x0] =	sbarrier.arrive $0xFFFF;
	(pc) =	sbr.rel @p0 .LBB2_1-.Ltmp1, $4  }
0x45: {  	[hbm:s7], [sflag:s6] =	dma.local [spmem:s11], $0x30E0  }
0x46: {  	_ =	swait.ge [sflag:s12], $0x30E0  }
0x47: {  	[sflag:s12] =	ssyncset.done $0x0  }
0x48: {  	[sflag:s12] =	ssyncadd.s32 $0xFFFFCF20  }
0x49: {  	_ =	sfence.sel $0x180000  }
0x4a: {  	[bflag:$0x0] =	sbarrier.arrive $0xFFFF  }
0x4b: {  	p0 =	sne.s32 s0, $0x0;
	_ =	strace $0x9000004A  }
0x4c: {  	s0 =	sadd.s32 @!p0 $0x100000, s1;
	[bflag:$0x2] =	sbarrier.arrive $0xFFFF  }
0x4d: {  	[sflag:s0] =	ssyncadd.tile.s32 @!p0 $0x1;
	_ =	shalt  }
.Lfunc_end2:
_tile_overlayer_lowered:
.L_overlay_start_2:
0x4e: {  	(tag) =	ssettag $0x2  }
0x4f: {  	s0 =	rddreg [dreg:$0x0];
	s2 =	stileid.u32  }
0x50: {  	s1 =	rddreg [dreg:$0x1];
	p0 =	sne.s32 s2, $0x0  }
0x51: {  	s3 =	rddreg [dreg:$0x2];
	[bflag:$0x3] =	sbarrier.arrive $0xFFFF;
	s2 =	simm.s32 @!p0 $0x1C02  }
0x52: {  	[timem:s3], [sflag:s2] =	dma.local @!p0 [hbm:s0], s1  }
0x53: {  	s0 =	simm.s32 @!p0 $0x2  }
0x54: {  	_ =	swait.ge @!p0 [sflag:s0], s1  }
0x55: {  	s1 =	ssub.s32 @!p0 $0x0, s1;
	[sflag:s0] =	ssyncset.done @!p0 $0x0  }
0x56: {  	[sflag:s0] =	ssyncadd.s32 @!p0 s1  }
0x57: {  	[bflag:$0x3] =	sbarrier.arrive $0xFFFF  }
0x58: {  	_ =	shalt  }

// kernel: kernel.17.cloned.1.call-start
scs
__scs_entry_jumppad:
0x0: {  	(pc) =	sbr.rel $0x88, $3  }
0x1: {  	(tag) =	ssettag $0x0;
	lr =	simm.s32 $0x1  }
0x2: {  	[smem:$0x3F8B] =	sst lr;
	_ =	strace $0xD0000000  }
0x3: {  	_ = 	snop  }
0x4: {  	_ = 	snop  }
0x5: {  	_ = 	snop  }
0x6: {  	_ = 	snop  }
0x7: {  	_ = 	snop  }
__scs_overlays_trampoline_lowered:
0x8: {  	[smem:$0x3F9A] =	sst s0  }
0x9: {  	[smem:$0x3F9B] =	sst s1  }
0xa: {  	[smem:$0x3F9C] =	sst s2  }
0xb: {  	[smem:$0x3F9D] =	sst s3  }
0xc: {  	[smem:$0x3F9E] =	sst s4  }
0xd: {  	[smem:$0x3F9F] =	sst s5  }
0xe: {  	[smem:$0x3FA0] =	sst s6  }
0xf: {  	[smem:$0x3FA1] =	sst s7  }
0x10: {  	[smem:$0x3FA2] =	sst s8  }
0x11: {  	[smem:$0x3FA3] =	sst s9;
	s0 =	simm.s32 @!p0 $0x0  }
0x12: {  	s1 =	sld [smem:$0x3F89];
	s0 =	simm.s32 @p0 $0x1  }
0x13: {  	[smem:$0x3FA4] =	sst s0;
	s0 =	simm.s32 @!p1 $0x0  }
0x14: {  	s2 =	sld [smem:$0x3F88];
	s0 =	simm.s32 @p1 $0x1  }
0x15: {  	[smem:$0x3FA5] =	sst s0;
	s0 =	simm.s32 @!p2 $0x0  }
0x16: {  	s3 =	sld [smem:$0x3FDB];
	s0 =	simm.s32 @p2 $0x1  }
0x17: {  	s4 =	simm.s32 $0x1BF5;
	[smem:$0x3FA7] =	sst s0  }
0x18: {  	s0 =	sld [smem:$0x3F8A];
	_ =	swait.ge [sflag:s4], $0x0  }
0x19: {  	s7 =	sld [smem:$0x3F8B]  }
0x1a: {  	s8 =	sadd.s32 $0xFFFFE003, lr  }
0x1b: {  	s9 =	sadd.s32 $0xFFFFFEF7, lr;
	s5 =	simm.s32 $0xFFFFFFFF;
	p2 =	slt.u32 s8, $0xFFFFF086  }
0x1c: {  	p1 =	slt.u32 s9, $0xF7A;
	s5 =	simm.s32 @!p2 $0x0  }
0x1d: {  	s5 =	simm.s32 @p1 $0x1;
	p0 =	seq.s32 s7, s2  }
0x1e: {  	s7 =	smul.u32 @!p0 $0xF7A, s2;
	p2 =	seq.s32 @!p0 s5, $0x0  }
0x1f: {  	s9 =	smul.u32 $0xF7A, s1;
	s8 =	simm.s32 @!p0 $0x1BF5;
	p2 =	por !p2, p0  }
0x20: {  	[sflag:s8] =	ssyncset.s32 @!p0 $0xFFFFF086;
	s6 =	sadd.s32 @!p0 s3, s7;
	s7 =	simm.s32 @!p0 $0x108  }
0x21: {  	s3 =	sadd.s32 s3, s9;
	s6 =	sadd.s32 @!p0 $0x88, s6;
	s7 =	simm.s32 @p2 $0x1082  }
0x22: {  	[simem:s7], [sflag:s8] =	dma.local @!p0 [hbm:s6], $0xF7A  }
0x23: {  	s9 =	sor.u32 $0xD0000000, s2;
	s6 =	simm.s32 $0x108;
	_ =	swait.ge @!p0 [sflag:s8], $0x0  }
0x24: {  	s3 =	sadd.s32 $0x88, s3;
	s6 =	simm.s32 @!p1 $0x1082;
	[sflag:s4] =	ssyncset.s32 $0xFFFFF086  }
0x25: {  	[simem:s6], [sflag:s4] =	dma.local [hbm:s3], $0xF7A  }
0x26: {  	[smem:$0x3F8B] =	sst s1;
	(tag) =	ssettag s2;
	_ =	strace s9  }
0x27: {  	s1 =	sld [smem:$0x3F9B]  }
0x28: {  	s2 =	sld [smem:$0x3F9C]  }
0x29: {  	s4 =	sld [smem:$0x3F9E]  }
0x2a: {  	p0 =	seq.s32 s5, $0x0;
	s5 =	sld [smem:$0x3F9F]  }
0x2b: {  	s6 =	sld [smem:$0x3FA0]  }
0x2c: {  	s7 =	sld [smem:$0x3FA1]  }
0x2d: {  	s3 =	simm.s32 $0x108;
	s8 =	sld [smem:$0x3FA2]  }
0x2e: {  	s3 =	simm.s32 @!p0 $0x1082;
	s9 =	sld [smem:$0x3FA3]  }
0x2f: {  	lr =	sadd.s32 s0, s3;
	s0 =	sld [smem:$0x3F9A]  }
0x30: {  	s3 =	sld [smem:$0x3F9D]  }
0x31: {  	[smem:$0x3FA6] =	sst s10  }
0x32: {  	s10 =	sld [smem:$0x3FA4];
	_ =	sdelay $0x3  }
0x33: {  	p0 =	seq.s32 s10, $0x1;
	s10 =	sld [smem:$0x3FA6];
	_ =	sdelay $0x3  }
0x34: {  	[smem:$0x3FA6] =	sst s10  }
0x35: {  	s10 =	sld [smem:$0x3FA5];
	_ =	sdelay $0x3  }
0x36: {  	p1 =	seq.s32 s10, $0x1;
	s10 =	sld [smem:$0x3FA6];
	_ =	sdelay $0x3  }
0x37: {  	[smem:$0x3FA6] =	sst s10  }
0x38: {  	s10 =	sld [smem:$0x3FA7]  }
0x39: {  	_ = 	snop;
	(pc) =	sbr.ind lr, $3  }
0x3a: {  	_ = 	snop  }
0x3b: {  	_ = 	snop  }
0x3c: {  	p2 =	seq.s32 s10, $0x1;
	s10 =	sld [smem:$0x3FA6]  }
0x3d: {  	_ =	shalt  }
0x3e: {  	_ =	shalt  }
0x3f: {  	_ =	shalt  }
0x40: {  	_ =	shalt  }
0x41: {  	_ =	shalt  }
0x42: {  	_ =	shalt  }
0x43: {  	_ =	shalt  }
0x44: {  	_ =	shalt  }
0x45: {  	_ =	shalt  }
0x46: {  	_ =	shalt  }
0x47: {  	_ =	shalt  }
0x48: {  	_ =	shalt  }
0x49: {  	_ =	shalt  }
0x4a: {  	_ =	shalt  }
0x4b: {  	_ =	shalt  }
0x4c: {  	_ =	shalt  }
0x4d: {  	_ =	shalt  }
0x4e: {  	_ =	shalt  }
0x4f: {  	_ =	shalt  }
0x50: {  	_ =	shalt  }
0x51: {  	_ =	shalt  }
0x52: {  	_ =	shalt  }
0x53: {  	_ =	shalt  }
0x54: {  	_ =	shalt  }
0x55: {  	_ =	shalt  }
0x56: {  	_ =	shalt  }
0x57: {  	_ =	shalt  }
0x58: {  	_ =	shalt  }
0x59: {  	_ =	shalt  }
0x5a: {  	_ =	shalt  }
0x5b: {  	_ =	shalt  }
0x5c: {  	_ =	shalt  }
0x5d: {  	_ =	shalt  }
0x5e: {  	_ =	shalt  }
0x5f: {  	_ =	shalt  }
0x60: {  	_ =	shalt  }
0x61: {  	_ =	shalt  }
0x62: {  	_ =	shalt  }
0x63: {  	_ =	shalt  }
0x64: {  	_ =	shalt  }
0x65: {  	_ =	shalt  }
0x66: {  	_ =	shalt  }
0x67: {  	_ =	shalt  }
0x68: {  	_ =	shalt  }
0x69: {  	_ =	shalt  }
0x6a: {  	_ =	shalt  }
0x6b: {  	_ =	shalt  }
0x6c: {  	_ =	shalt  }
0x6d: {  	_ =	shalt  }
0x6e: {  	_ =	shalt  }
0x6f: {  	_ =	shalt  }
0x70: {  	_ =	shalt  }
0x71: {  	_ =	shalt  }
0x72: {  	_ =	shalt  }
0x73: {  	_ =	shalt  }
0x74: {  	_ =	shalt  }
0x75: {  	_ =	shalt  }
0x76: {  	_ =	shalt  }
0x77: {  	_ =	shalt  }
0x78: {  	_ =	shalt  }
0x79: {  	_ =	shalt  }
0x7a: {  	_ =	shalt  }
0x7b: {  	_ =	shalt  }
0x7c: {  	_ =	shalt  }
0x7d: {  	_ =	shalt  }
0x7e: {  	_ =	shalt  }
0x7f: {  	_ =	shalt  }
0x80: {  	_ =	shalt  }
0x81: {  	_ =	shalt  }
0x82: {  	_ =	shalt  }
0x83: {  	_ =	shalt  }
0x84: {  	_ =	shalt  }
0x85: {  	_ =	shalt  }
0x86: {  	_ =	shalt  }
0x87: {  	_ =	shalt  }
.Lfunc_end0:
.L_simem_size_0:
called_computation.2_lowered:
.L_overlay_start_0:
0x88: {  	s2 =	sld [smem:$0x3FD9]  }
0x89: {  	s3 =	sld [smem:$0x3FFE];
	_ =	sdelay $0x1  }
0x8a: {  	s1 =	srdreg.scid  }
0x8b: {  	s0 =	sand.u32 $0x1, s1  }
0x8c: {  	s16 =	sshll.u32 s0, $0xA;
	s2 =	sadd.s32 s3, s2  }
0x8d: {  	s2 =	sadd.s32 s2, s16  }
0x8e: {  	[smem:$0x3FB2] =	sst s2  }
0x8f: {  	_ = 	snop  }
0x90: {  	(tm) =	ssettm $0x1  }
0x91: {  	s17 =	sld [smem:$0x3FFB];
	_ =	sdelay $0x3  }
0x92: {  	_ =	strace s17  }
0x93: {  	s2 =	sld [smem:$0x3FFC];
	_ =	sdelay $0x3  }
0x94: {  	_ =	strace s2  }
0x95: {  	s2 =	sld [smem:$0x3FFD];
	_ =	sdelay $0x3  }
0x96: {  	_ =	strace s2  }
0x97: {  	_ =	strace $0x8FFFFFFF  }
0x98: {  	s18 =	sld [smem:$0x3FDB];
	_ =	sdelay $0x1  }
0x99: {  	s19 =	simm.s32 $_scs_section_size  }
0x9a: {  	s4 =	simm.s32 $_size__tile_overlayer_lowered;
	s5 =	simm.s32 $_tile_overlayer_lowered  }
0x9b: {  	s22 =	simm.s32 $0x1BFF;
	s21 =	sshll.u32 s5, $0x1;
	s2 =	sadd.s32 s19, s18  }
0x9c: {  	s6 =	simm.s32 $0x0;
	s20 =	sshll.u32 s4, $0x1;
	s4 =	sadd.s32 s21, s2  }
0x9d: {  	[timem:s6], [sflag:s22] =	dma.local [hbm:s4], s20  }
0x9e: {  	_ =	swait.ge [sflag:s22], s20  }
0x9f: {  	s3 =	ssub.s32 $0x0, s20;
	[sflag:s22] =	ssyncset.done $0x0  }
0xa0: {  	[sflag:s22] =	ssyncadd.s32 s3;
	_ =	sdelay $0x1  }
0xa1: {  	s23 =	simm.s32 $0x1B8B  }
0xa2: {  	_ =	swait.ge [sflag:s23], $0x1  }
0xa3: {  	[sflag:s23] =	ssyncset.done $0x0  }
0xa4: {  	s25 =	simm.s32 $0x1B8E;
	s24 =	sld [smem:$0x3FFE];
	[sflag:s23] =	ssyncadd.s32 $0xFFFFFFFF  }
0xa5: {  	s26 =	simm.s32 $execute0_lowered;
	[smem:$0x3FD2] =	sst s25  }
0xa6: {  	s4 =	sshll.u32 s26, $0x1;
	_ =	strace $0x8000004C;
	[dreg:$0x1] =	wrdreg $0xFFFFFFFF  }
0xa7: {  	s28 =	simm.s32 $_size_execute0_lowered;
	s2 =	sadd.s32 s2, s4;
	[dreg:$0x0] =	wrdreg $0x0  }
0xa8: {  	s4 =	sshll.u32 s28, $0x1;
	[dreg:$0x2] =	wrdreg s2  }
0xa9: {  	[dreg:$0x3] =	wrdreg s4  }
0xaa: {  	[dreg:$0x4] =	wrdreg $0xC0  }
0xab: {  	_ =	task [dreg:s6], $0x5FFFF  }
0xac: {  	[dreg:$0x1] =	wrdreg $0xFFFFFFFF  }
0xad: {  	[dreg:$0x0] =	wrdreg $0x60  }
0xae: {  	[dreg:$0x2] =	wrdreg s24  }
0xaf: {  	[dreg:$0x3] =	wrdreg $0x0  }
0xb0: {  	[dreg:$0x4] =	wrdreg $0x9  }
0xb1: {  	_ =	task.clear_ibuf [dreg:s6], $0x5FFFF;
	_ =	strace $0x9000004C  }
0xb2: {  	s29 =	simm.s32 $0x9;
	_ =	strace $0x8000004E  }
0xb3: {  	_ =	swait.ge [sflag:s29], $0x1  }
0xb4: {  	[sflag:s29] =	ssyncadd.s32 $0xFFFFFFFF  }
0xb5: {  	_ =	strace $0x9000004E  }
0xb6: {  	_ =	sfence  }
0xb7: {  	s30 =	sld [smem:$0x0];
	_ =	sdelay $0x2  }
0xb8: {  	s31 =	sshll.u32 s1, $0xD;
	s1 =	sshrl.u32 s1, $0x2  }
0xb9: {  	s3 =	sand.u32 $0x4000, s31;
	s1 =	sadd.s32 s1, s30  }
0xba: {  	s0 =	sor.u32 s3, s0;
	s1 =	sshll.u32 s1, $0x11  }
0xbb: {  	s0 =	sor.u32 s1, s0  }
0xbc: {  	s0 =	sadd.s32 $0x8F2B, s0  }
0xbd: {  	[sflag:s0] =	ssyncadd.remote.s32 $0x1  }
0xbe: {  	_ =	sfence.sel $0xFFFF  }
0xbf: {  	[dreg:$0x0] =	wrdreg $0xFFFFFFFF;
	(pc) =	sbr.abs _section_cstart, $3  }
0xc0: {  	[dreg:$0x1] =	wrdreg $0xFFFFFFFF  }
0xc1: {  	_ =	task.clear_ibuf [dreg:s6], $0x2FFFF;
	_ =	strace $0x9FFFFFFF  }
0xc2: {  	(tm) =	ssettm $0x7FFFFFFF  }
0xc3: {  	_ =	shalt  }
tec
execute0_lowered:
.L_overlay_start_1:
0x0: {  	(tag) =	ssettag $0x1  }
0x1: {  	s1 =	srdreg.scid  }
0x2: {  	s0 =	stileid.u32;
	s5 =	rddreg [dreg:$0x0]  }
0x3: {  	s2 =	rddreg [dreg:$0x1];
	s3 =	simm.s32 $0x0;
	s13 =	simm.s32 $0x18700  }
0x4: {  	s14 =	simm.s32 $0x18780;
	s15 =	simm.s32 $0x80;
	s16 =	simm.s32 $0x18800  }
0x5: {  	s17 =	simm.s32 $0x1;
	s18 =	simm.s32 $0x0;
	s7 =	smul.u32 $0x18700, s0  }
0x6: {  	s6 =	sand.u32 $0x1, s1;
	s1 =	rddreg [dreg:$0x2];
	s9 =	smul.u32 $0x30E0, s0  }
0x7: {  	[smem:$0x7FF] =	sst s3;
	s11 =	sshll.u32 s0, $0x6;
	s4 =	smul.u32 $0x187000, s6  }
0x8: {  	_ =	strace $0x8000004D;
	s6 =	ssub.s32 $0x2, s6;
	s9 =	sadd.s32 s9, s5  }
0x9: {  	s31 =	sshrl.u32 s6, $0x1;
	s12 =	sadd.s32 s7, s2;
	s8 =	sadd.s32 s7, s4  }
0xa: {  	s4 =	sadd.s32 $0x65000, s5;
	s9 =	sadd.s32 $0xC6C00, s9;
	s8 =	sshrl.u32 s8, $0x3  }
0xb: {  	s10 =	sadd.s32 s8, s5;
	s5 =	sadd.s32 $0xF7A00, s5;
	s8 =	ssub.s32 s6, s31  }
0xc: {  	s6 =	sor.u32 $0x1C02, s11;
	s11 =	sshrl.u32 s12, $0x3;
	s12 =	simm.s32 $0x2  }
0xd: {  	s7 =	sadd.s32 $0xFAC00, s10;
	s8 =	smax.u32 s8, $0x1;
	s10 =	sadd.s32 $0x3400, s10  }
.LBB2_1:
0xe: {  	[spmem:s11], [sflag:s6] =	dma.local [hbm:s5], $0x30E0  }
0xf: {  	_ =	swait.ge [sflag:s12], $0x30E0  }
0x10: {  	[sflag:s12] =	ssyncset.done $0x0  }
0x11: {  	[sflag:s12] =	ssyncadd.s32 $0xFFFFCF20  }
0x12: {  	s19 =	sadd.s32 $0x0, s10;
	[bflag:$0x0] =	sbarrier.arrive $0xFFFF  }
0x13: {  	[tilespmem:s13], [sflag:$0x2] =	stream.linear.gather [hbm4b:s19+s3], $0x80, $0x38;
	[tilespmem:$0x19000] =	vst v63  }
0x14: {  	_ =	swait.ge [sflag:s12], $0x80  }
0x15: {  	[sflag:s12] =	ssyncset.done $0x0  }
0x16: {  	s31 =	sadd.s32 $0x0, s9;
	[sflag:s12] =	ssyncadd.s32 $0xFFFFFF80  }
0x17: {  	[tilespmem:s14], [sflag:$0x2] =	stream.linear.gather [hbm4b:s31+s3], $0x80, $0x38;
	[tilespmem:$0x19000] =	vst v63  }
0x18: {  	_ =	swait.ge [sflag:s12], $0x80  }
0x19: {  	[sflag:s12] =	ssyncset.done $0x0  }
0x1a: {  	[sflag:s12] =	ssyncadd.s32 $0xFFFFFF80  }
0x1b: {  	[tilespmem:s16], [sflag:$0x1] =	stream.indirect.gather [hbm4b:s4+s15], $0x10, s13, s15, $0xb8;
	[tilespmem:$0x19000] =	vst v63  }
0x1c: {  	_ =	swait.ge [sflag:s17], $0x800  }
0x1d: {  	[sflag:s17] =	ssyncset.done $0x0  }
0x1e: {  	[sflag:s17] =	ssyncadd.s32 $0xFFFFF800  }
0x1f: {  	[spmem:s2] =	stream.indirect.scatter.add.f32 [tilespmem:s16], [sflag:$0x2], $0x10, s14, s15, $0xb8;
	[tilespmem:$0x19000] =	vst v63  }
0x20: {  	_ =	swait.ge [sflag:s12], $0x800  }
0x21: {  	s20 =	simm.s32 $0x20;
	s19 =	simm.s32 $0x10;
	[sflag:s12] =	ssyncset.done $0x0  }
.LBB2_2:
0x22: {  	s21 =	sadd.s32 s19, s10  }
0x23: {  	[sflag:s12] =	ssyncadd.s32 $0xFFFFF800;
	s22 =	smov.u32 s20;
	s23 =	sadd.s32 $0x10, s20  }
0x24: {  	[tilespmem:s13], [sflag:$0x2] =	stream.linear.gather [hbm4b:s21+s3], $0x80, $0x38;
	[tilespmem:$0x19000] =	vst v63  }
0x25: {  	p0 =	sne.s32 s20, $0x30D0;
	_ =	swait.ge [sflag:s12], $0x80  }
0x26: {  	[sflag:s12] =	ssyncset.done $0x0  }
0x27: {  	s20 =	sadd.s32 s19, s9;
	s19 =	smov.u32 s22;
	[sflag:s12] =	ssyncadd.s32 $0xFFFFFF80  }
0x28: {  	[tilespmem:s14], [sflag:$0x2] =	stream.linear.gather [hbm4b:s20+s3], $0x80, $0x38;
	[tilespmem:$0x19000] =	vst v63  }
0x29: {  	_ =	swait.ge [sflag:s12], $0x80  }
0x2a: {  	[sflag:s12] =	ssyncset.done $0x0  }
0x2b: {  	[sflag:s12] =	ssyncadd.s32 $0xFFFFFF80  }
0x2c: {  	[tilespmem:s16], [sflag:$0x1] =	stream.indirect.gather [hbm4b:s4+s15], $0x10, s13, s15, $0xb8;
	[tilespmem:$0x19000] =	vst v63  }
0x2d: {  	_ =	swait.ge [sflag:s17], $0x800  }
.Ltmp0:
0x2e: {  	[sflag:s17] =	ssyncset.done $0x0;
	(pc) =	sbr.rel @p0 .LBB2_2-.Ltmp0, $4  }
0x2f: {  	[sflag:s17] =	ssyncadd.s32 $0xFFFFF800  }
0x30: {  	[spmem:s2] =	stream.indirect.scatter.add.f32 [tilespmem:s16], [sflag:$0x2], $0x10, s14, s15, $0xb8;
	[tilespmem:$0x19000] =	vst v63  }
0x31: {  	_ =	swait.ge [sflag:s12], $0x800  }
0x32: {  	s20 =	smov.u32 s23;
	[sflag:s12] =	ssyncset.done $0x0  }
0x33: {  	s20 =	sadd.s32 s19, s10;
	[sflag:s12] =	ssyncadd.s32 $0xFFFFF800  }
0x34: {  	[tilespmem:s13], [sflag:$0x2] =	stream.linear.gather [hbm4b:s20+s3], $0x80, $0x38;
	[tilespmem:$0x19000] =	vst v63  }
0x35: {  	_ =	swait.ge [sflag:s12], $0x80  }
0x36: {  	[sflag:s12] =	ssyncset.done $0x0  }
0x37: {  	s31 =	sadd.s32 s19, s9;
	[sflag:s12] =	ssyncadd.s32 $0xFFFFFF80  }
0x38: {  	[tilespmem:s14], [sflag:$0x2] =	stream.linear.gather [hbm4b:s31+s3], $0x80, $0x38;
	[tilespmem:$0x19000] =	vst v63  }
0x39: {  	_ =	swait.ge [sflag:s12], $0x80  }
0x3a: {  	[sflag:s12] =	ssyncset.done $0x0  }
0x3b: {  	[sflag:s12] =	ssyncadd.s32 $0xFFFFFF80  }
0x3c: {  	[tilespmem:s16], [sflag:$0x1] =	stream.indirect.gather [hbm4b:s4+s15], $0x10, s13, s15, $0xb8;
	[tilespmem:$0x19000] =	vst v63  }
0x3d: {  	_ =	swait.ge [sflag:s17], $0x800  }
0x3e: {  	[sflag:s17] =	ssyncset.done $0x0  }
0x3f: {  	[sflag:s17] =	ssyncadd.s32 $0xFFFFF800  }
0x40: {  	[spmem:s2] =	stream.indirect.scatter.add.f32 [tilespmem:s16], [sflag:$0x2], $0x10, s14, s15, $0xb8;
	[tilespmem:$0x19000] =	vst v63  }
0x41: {  	_ =	swait.ge [sflag:s12], $0x800  }
0x42: {  	s18 =	sadd.s32 $0x1, s18;
	[sflag:s12] =	ssyncset.done $0x0  }
0x43: {  	p0 =	sne.s32 s18, s8;
	[sflag:s12] =	ssyncadd.s32 $0xFFFFF800  }
.Ltmp1:
0x44: {  	[bflag:$0x0] =	sbarrier.arrive $0xFFFF;
	(pc) =	sbr.rel @p0 .LBB2_1-.Ltmp1, $4  }
0x45: {  	[hbm:s7], [sflag:s6] =	dma.local [spmem:s11], $0x30E0  }
0x46: {  	_ =	swait.ge [sflag:s12], $0x30E0  }
0x47: {  	[sflag:s12] =	ssyncset.done $0x0  }
0x48: {  	[sflag:s12] =	ssyncadd.s32 $0xFFFFCF20  }
0x49: {  	_ =	sfence.sel $0x180000  }
0x4a: {  	[bflag:$0x0] =	sbarrier.arrive $0xFFFF  }
0x4b: {  	p0 =	sne.s32 s0, $0x0;
	_ =	strace $0x9000004D  }
0x4c: {  	s0 =	sadd.s32 @!p0 $0x100000, s1;
	[bflag:$0x2] =	sbarrier.arrive $0xFFFF  }
0x4d: {  	[sflag:s0] =	ssyncadd.tile.s32 @!p0 $0x1;
	_ =	shalt  }
.Lfunc_end2:
_tile_overlayer_lowered:
.L_overlay_start_2:
0x4e: {  	(tag) =	ssettag $0x2  }
0x4f: {  	s0 =	rddreg [dreg:$0x0];
	s2 =	stileid.u32  }
0x50: {  	s1 =	rddreg [dreg:$0x1];
	p0 =	sne.s32 s2, $0x0  }
0x51: {  	s3 =	rddreg [dreg:$0x2];
	[bflag:$0x3] =	sbarrier.arrive $0xFFFF;
	s2 =	simm.s32 @!p0 $0x1C02  }
0x52: {  	[timem:s3], [sflag:s2] =	dma.local @!p0 [hbm:s0], s1  }
0x53: {  	s0 =	simm.s32 @!p0 $0x2  }
0x54: {  	_ =	swait.ge @!p0 [sflag:s0], s1  }
0x55: {  	s1 =	ssub.s32 @!p0 $0x0, s1;
	[sflag:s0] =	ssyncset.done @!p0 $0x0  }
0x56: {  	[sflag:s0] =	ssyncadd.s32 @!p0 s1  }
0x57: {  	[bflag:$0x3] =	sbarrier.arrive $0xFFFF  }
0x58: {  	_ =	shalt  }

// kernel: kernel.20.cloned.1.call-start
scs
__scs_entry_jumppad:
0x0: {  	(pc) =	sbr.rel $0x88, $3  }
0x1: {  	(tag) =	ssettag $0x0;
	lr =	simm.s32 $0x1  }
0x2: {  	[smem:$0x3F8B] =	sst lr;
	_ =	strace $0xD0000000  }
0x3: {  	_ = 	snop  }
0x4: {  	_ = 	snop  }
0x5: {  	_ = 	snop  }
0x6: {  	_ = 	snop  }
0x7: {  	_ = 	snop  }
__scs_overlays_trampoline_lowered:
0x8: {  	[smem:$0x3F9A] =	sst s0  }
0x9: {  	[smem:$0x3F9B] =	sst s1  }
0xa: {  	[smem:$0x3F9C] =	sst s2  }
0xb: {  	[smem:$0x3F9D] =	sst s3  }
0xc: {  	[smem:$0x3F9E] =	sst s4  }
0xd: {  	[smem:$0x3F9F] =	sst s5  }
0xe: {  	[smem:$0x3FA0] =	sst s6  }
0xf: {  	[smem:$0x3FA1] =	sst s7  }
0x10: {  	[smem:$0x3FA2] =	sst s8  }
0x11: {  	[smem:$0x3FA3] =	sst s9;
	s0 =	simm.s32 @!p0 $0x0  }
0x12: {  	s1 =	sld [smem:$0x3F89];
	s0 =	simm.s32 @p0 $0x1  }
0x13: {  	[smem:$0x3FA4] =	sst s0;
	s0 =	simm.s32 @!p1 $0x0  }
0x14: {  	s2 =	sld [smem:$0x3F88];
	s0 =	simm.s32 @p1 $0x1  }
0x15: {  	[smem:$0x3FA5] =	sst s0;
	s0 =	simm.s32 @!p2 $0x0  }
0x16: {  	s3 =	sld [smem:$0x3FDB];
	s0 =	simm.s32 @p2 $0x1  }
0x17: {  	s4 =	simm.s32 $0x1BF5;
	[smem:$0x3FA7] =	sst s0  }
0x18: {  	s0 =	sld [smem:$0x3F8A];
	_ =	swait.ge [sflag:s4], $0x0  }
0x19: {  	s7 =	sld [smem:$0x3F8B]  }
0x1a: {  	s8 =	sadd.s32 $0xFFFFE003, lr  }
0x1b: {  	s9 =	sadd.s32 $0xFFFFFEF7, lr;
	s5 =	simm.s32 $0xFFFFFFFF;
	p2 =	slt.u32 s8, $0xFFFFF086  }
0x1c: {  	p1 =	slt.u32 s9, $0xF7A;
	s5 =	simm.s32 @!p2 $0x0  }
0x1d: {  	s5 =	simm.s32 @p1 $0x1;
	p0 =	seq.s32 s7, s2  }
0x1e: {  	s7 =	smul.u32 @!p0 $0xF7A, s2;
	p2 =	seq.s32 @!p0 s5, $0x0  }
0x1f: {  	s9 =	smul.u32 $0xF7A, s1;
	s8 =	simm.s32 @!p0 $0x1BF5;
	p2 =	por !p2, p0  }
0x20: {  	[sflag:s8] =	ssyncset.s32 @!p0 $0xFFFFF086;
	s6 =	sadd.s32 @!p0 s3, s7;
	s7 =	simm.s32 @!p0 $0x108  }
0x21: {  	s3 =	sadd.s32 s3, s9;
	s6 =	sadd.s32 @!p0 $0x88, s6;
	s7 =	simm.s32 @p2 $0x1082  }
0x22: {  	[simem:s7], [sflag:s8] =	dma.local @!p0 [hbm:s6], $0xF7A  }
0x23: {  	s9 =	sor.u32 $0xD0000000, s2;
	s6 =	simm.s32 $0x108;
	_ =	swait.ge @!p0 [sflag:s8], $0x0  }
0x24: {  	s3 =	sadd.s32 $0x88, s3;
	s6 =	simm.s32 @!p1 $0x1082;
	[sflag:s4] =	ssyncset.s32 $0xFFFFF086  }
0x25: {  	[simem:s6], [sflag:s4] =	dma.local [hbm:s3], $0xF7A  }
0x26: {  	[smem:$0x3F8B] =	sst s1;
	(tag) =	ssettag s2;
	_ =	strace s9  }
0x27: {  	s1 =	sld [smem:$0x3F9B]  }
0x28: {  	s2 =	sld [smem:$0x3F9C]  }
0x29: {  	s4 =	sld [smem:$0x3F9E]  }
0x2a: {  	p0 =	seq.s32 s5, $0x0;
	s5 =	sld [smem:$0x3F9F]  }
0x2b: {  	s6 =	sld [smem:$0x3FA0]  }
0x2c: {  	s7 =	sld [smem:$0x3FA1]  }
0x2d: {  	s3 =	simm.s32 $0x108;
	s8 =	sld [smem:$0x3FA2]  }
0x2e: {  	s3 =	simm.s32 @!p0 $0x1082;
	s9 =	sld [smem:$0x3FA3]  }
0x2f: {  	lr =	sadd.s32 s0, s3;
	s0 =	sld [smem:$0x3F9A]  }
0x30: {  	s3 =	sld [smem:$0x3F9D]  }
0x31: {  	[smem:$0x3FA6] =	sst s10  }
0x32: {  	s10 =	sld [smem:$0x3FA4];
	_ =	sdelay $0x3  }
0x33: {  	p0 =	seq.s32 s10, $0x1;
	s10 =	sld [smem:$0x3FA6];
	_ =	sdelay $0x3  }
0x34: {  	[smem:$0x3FA6] =	sst s10  }
0x35: {  	s10 =	sld [smem:$0x3FA5];
	_ =	sdelay $0x3  }
0x36: {  	p1 =	seq.s32 s10, $0x1;
	s10 =	sld [smem:$0x3FA6];
	_ =	sdelay $0x3  }
0x37: {  	[smem:$0x3FA6] =	sst s10  }
0x38: {  	s10 =	sld [smem:$0x3FA7]  }
0x39: {  	_ = 	snop;
	(pc) =	sbr.ind lr, $3  }
0x3a: {  	_ = 	snop  }
0x3b: {  	_ = 	snop  }
0x3c: {  	p2 =	seq.s32 s10, $0x1;
	s10 =	sld [smem:$0x3FA6]  }
0x3d: {  	_ =	shalt  }
0x3e: {  	_ =	shalt  }
0x3f: {  	_ =	shalt  }
0x40: {  	_ =	shalt  }
0x41: {  	_ =	shalt  }
0x42: {  	_ =	shalt  }
0x43: {  	_ =	shalt  }
0x44: {  	_ =	shalt  }
0x45: {  	_ =	shalt  }
0x46: {  	_ =	shalt  }
0x47: {  	_ =	shalt  }
0x48: {  	_ =	shalt  }
0x49: {  	_ =	shalt  }
0x4a: {  	_ =	shalt  }
0x4b: {  	_ =	shalt  }
0x4c: {  	_ =	shalt  }
0x4d: {  	_ =	shalt  }
0x4e: {  	_ =	shalt  }
0x4f: {  	_ =	shalt  }
0x50: {  	_ =	shalt  }
0x51: {  	_ =	shalt  }
0x52: {  	_ =	shalt  }
0x53: {  	_ =	shalt  }
0x54: {  	_ =	shalt  }
0x55: {  	_ =	shalt  }
0x56: {  	_ =	shalt  }
0x57: {  	_ =	shalt  }
0x58: {  	_ =	shalt  }
0x59: {  	_ =	shalt  }
0x5a: {  	_ =	shalt  }
0x5b: {  	_ =	shalt  }
0x5c: {  	_ =	shalt  }
0x5d: {  	_ =	shalt  }
0x5e: {  	_ =	shalt  }
0x5f: {  	_ =	shalt  }
0x60: {  	_ =	shalt  }
0x61: {  	_ =	shalt  }
0x62: {  	_ =	shalt  }
0x63: {  	_ =	shalt  }
0x64: {  	_ =	shalt  }
0x65: {  	_ =	shalt  }
0x66: {  	_ =	shalt  }
0x67: {  	_ =	shalt  }
0x68: {  	_ =	shalt  }
0x69: {  	_ =	shalt  }
0x6a: {  	_ =	shalt  }
0x6b: {  	_ =	shalt  }
0x6c: {  	_ =	shalt  }
0x6d: {  	_ =	shalt  }
0x6e: {  	_ =	shalt  }
0x6f: {  	_ =	shalt  }
0x70: {  	_ =	shalt  }
0x71: {  	_ =	shalt  }
0x72: {  	_ =	shalt  }
0x73: {  	_ =	shalt  }
0x74: {  	_ =	shalt  }
0x75: {  	_ =	shalt  }
0x76: {  	_ =	shalt  }
0x77: {  	_ =	shalt  }
0x78: {  	_ =	shalt  }
0x79: {  	_ =	shalt  }
0x7a: {  	_ =	shalt  }
0x7b: {  	_ =	shalt  }
0x7c: {  	_ =	shalt  }
0x7d: {  	_ =	shalt  }
0x7e: {  	_ =	shalt  }
0x7f: {  	_ =	shalt  }
0x80: {  	_ =	shalt  }
0x81: {  	_ =	shalt  }
0x82: {  	_ =	shalt  }
0x83: {  	_ =	shalt  }
0x84: {  	_ =	shalt  }
0x85: {  	_ =	shalt  }
0x86: {  	_ =	shalt  }
0x87: {  	_ =	shalt  }
.Lfunc_end0:
.L_simem_size_0:
called_computation.3_lowered:
.L_overlay_start_0:
0x88: {  	s2 =	sld [smem:$0x3FD9]  }
0x89: {  	s3 =	sld [smem:$0x3FFE];
	_ =	sdelay $0x1  }
0x8a: {  	s1 =	srdreg.scid  }
0x8b: {  	s0 =	sand.u32 $0x1, s1  }
0x8c: {  	s16 =	sshll.u32 s0, $0xA;
	s2 =	sadd.s32 s3, s2  }
0x8d: {  	s2 =	sadd.s32 s2, s16  }
0x8e: {  	[smem:$0x3FB2] =	sst s2  }
0x8f: {  	_ = 	snop  }
0x90: {  	(tm) =	ssettm $0x1  }
0x91: {  	s17 =	sld [smem:$0x3FFB];
	_ =	sdelay $0x3  }
0x92: {  	_ =	strace s17  }
0x93: {  	s2 =	sld [smem:$0x3FFC];
	_ =	sdelay $0x3  }
0x94: {  	_ =	strace s2  }
0x95: {  	s2 =	sld [smem:$0x3FFD];
	_ =	sdelay $0x3  }
0x96: {  	_ =	strace s2  }
0x97: {  	_ =	strace $0x8FFFFFFF  }
0x98: {  	s18 =	sld [smem:$0x3FDB];
	_ =	sdelay $0x1  }
0x99: {  	s19 =	simm.s32 $_scs_section_size  }
0x9a: {  	s4 =	simm.s32 $_size__tile_overlayer_lowered;
	s5 =	simm.s32 $_tile_overlayer_lowered  }
0x9b: {  	s22 =	simm.s32 $0x1BFF;
	s21 =	sshll.u32 s5, $0x1;
	s2 =	sadd.s32 s19, s18  }
0x9c: {  	s6 =	simm.s32 $0x0;
	s20 =	sshll.u32 s4, $0x1;
	s4 =	sadd.s32 s21, s2  }
0x9d: {  	[timem:s6], [sflag:s22] =	dma.local [hbm:s4], s20  }
0x9e: {  	_ =	swait.ge [sflag:s22], s20  }
0x9f: {  	s3 =	ssub.s32 $0x0, s20;
	[sflag:s22] =	ssyncset.done $0x0  }
0xa0: {  	[sflag:s22] =	ssyncadd.s32 s3;
	_ =	sdelay $0x1  }
0xa1: {  	s23 =	simm.s32 $0x1B8B  }
0xa2: {  	_ =	swait.ge [sflag:s23], $0x1  }
0xa3: {  	[sflag:s23] =	ssyncset.done $0x0  }
0xa4: {  	s25 =	simm.s32 $0x1B8E;
	s24 =	sld [smem:$0x3FFE];
	[sflag:s23] =	ssyncadd.s32 $0xFFFFFFFF  }
0xa5: {  	s26 =	simm.s32 $execute0_lowered;
	[smem:$0x3FD2] =	sst s25  }
0xa6: {  	s4 =	sshll.u32 s26, $0x1;
	_ =	strace $0x8000004F;
	[dreg:$0x1] =	wrdreg $0xFFFFFFFF  }
0xa7: {  	s28 =	simm.s32 $_size_execute0_lowered;
	s2 =	sadd.s32 s2, s4;
	[dreg:$0x0] =	wrdreg $0x0  }
0xa8: {  	s4 =	sshll.u32 s28, $0x1;
	[dreg:$0x2] =	wrdreg s2  }
0xa9: {  	[dreg:$0x3] =	wrdreg s4  }
0xaa: {  	[dreg:$0x4] =	wrdreg $0xC0  }
0xab: {  	_ =	task [dreg:s6], $0x5FFFF  }
0xac: {  	[dreg:$0x1] =	wrdreg $0xFFFFFFFF  }
0xad: {  	[dreg:$0x0] =	wrdreg $0x60  }
0xae: {  	[dreg:$0x2] =	wrdreg s24  }
0xaf: {  	[dreg:$0x3] =	wrdreg $0x0  }
0xb0: {  	[dreg:$0x4] =	wrdreg $0x9  }
0xb1: {  	_ =	task.clear_ibuf [dreg:s6], $0x5FFFF;
	_ =	strace $0x9000004F  }
0xb2: {  	s29 =	simm.s32 $0x9;
	_ =	strace $0x80000051  }
0xb3: {  	_ =	swait.ge [sflag:s29], $0x1  }
0xb4: {  	[sflag:s29] =	ssyncadd.s32 $0xFFFFFFFF  }
0xb5: {  	_ =	strace $0x90000051  }
0xb6: {  	_ =	sfence  }
0xb7: {  	s30 =	sld [smem:$0x0];
	_ =	sdelay $0x2  }
0xb8: {  	s31 =	sshll.u32 s1, $0xD;
	s1 =	sshrl.u32 s1, $0x2  }
0xb9: {  	s3 =	sand.u32 $0x4000, s31;
	s1 =	sadd.s32 s1, s30  }
0xba: {  	s0 =	sor.u32 s3, s0;
	s1 =	sshll.u32 s1, $0x11  }
0xbb: {  	s0 =	sor.u32 s1, s0  }
0xbc: {  	s0 =	sadd.s32 $0x8F2B, s0  }
0xbd: {  	[sflag:s0] =	ssyncadd.remote.s32 $0x1  }
0xbe: {  	_ =	sfence.sel $0xFFFF  }
0xbf: {  	[dreg:$0x0] =	wrdreg $0xFFFFFFFF;
	(pc) =	sbr.abs _section_cstart, $3  }
0xc0: {  	[dreg:$0x1] =	wrdreg $0xFFFFFFFF  }
0xc1: {  	_ =	task.clear_ibuf [dreg:s6], $0x2FFFF;
	_ =	strace $0x9FFFFFFF  }
0xc2: {  	(tm) =	ssettm $0x7FFFFFFF  }
0xc3: {  	_ =	shalt  }
tec
execute0_lowered:
.L_overlay_start_1:
0x0: {  	(tag) =	ssettag $0x1  }
0x1: {  	s1 =	srdreg.scid  }
0x2: {  	s0 =	stileid.u32;
	s5 =	rddreg [dreg:$0x0]  }
0x3: {  	s2 =	rddreg [dreg:$0x1];
	s3 =	simm.s32 $0x0;
	s13 =	simm.s32 $0x18700  }
0x4: {  	s14 =	simm.s32 $0x18780;
	s15 =	simm.s32 $0x80;
	s16 =	simm.s32 $0x18800  }
0x5: {  	s17 =	simm.s32 $0x1;
	s18 =	simm.s32 $0x0;
	s7 =	smul.u32 $0x18700, s0  }
0x6: {  	s6 =	sand.u32 $0x1, s1;
	s1 =	rddreg [dreg:$0x2];
	s9 =	smul.u32 $0x30E0, s0  }
0x7: {  	[smem:$0x7FF] =	sst s3;
	s11 =	sshll.u32 s0, $0x6;
	s4 =	smul.u32 $0x187000, s6  }
0x8: {  	_ =	strace $0x80000050;
	s6 =	ssub.s32 $0x2, s6;
	s9 =	sadd.s32 s9, s5  }
0x9: {  	s31 =	sshrl.u32 s6, $0x1;
	s12 =	sadd.s32 s7, s2;
	s8 =	sadd.s32 s7, s4  }
0xa: {  	s4 =	sadd.s32 $0x65000, s5;
	s9 =	sadd.s32 $0xC6C00, s9;
	s8 =	sshrl.u32 s8, $0x3  }
0xb: {  	s10 =	sadd.s32 s8, s5;
	s5 =	sadd.s32 $0xF7A00, s5;
	s8 =	ssub.s32 s6, s31  }
0xc: {  	s6 =	sor.u32 $0x1C02, s11;
	s11 =	sshrl.u32 s12, $0x3;
	s12 =	simm.s32 $0x2  }
0xd: {  	s7 =	sadd.s32 $0xFAC00, s10;
	s8 =	smax.u32 s8, $0x1;
	s10 =	sadd.s32 $0x3400, s10  }
.LBB2_1:
0xe: {  	[spmem:s11], [sflag:s6] =	dma.local [hbm:s5], $0x30E0  }
0xf: {  	_ =	swait.ge [sflag:s12], $0x30E0  }
0x10: {  	[sflag:s12] =	ssyncset.done $0x0  }
0x11: {  	[sflag:s12] =	ssyncadd.s32 $0xFFFFCF20  }
0x12: {  	s19 =	sadd.s32 $0x0, s10;
	[bflag:$0x0] =	sbarrier.arrive $0xFFFF  }
0x13: {  	[tilespmem:s13], [sflag:$0x2] =	stream.linear.gather [hbm4b:s19+s3], $0x80, $0x38;
	[tilespmem:$0x19000] =	vst v63  }
0x14: {  	_ =	swait.ge [sflag:s12], $0x80  }
0x15: {  	[sflag:s12] =	ssyncset.done $0x0  }
0x16: {  	s31 =	sadd.s32 $0x0, s9;
	[sflag:s12] =	ssyncadd.s32 $0xFFFFFF80  }
0x17: {  	[tilespmem:s14], [sflag:$0x2] =	stream.linear.gather [hbm4b:s31+s3], $0x80, $0x38;
	[tilespmem:$0x19000] =	vst v63  }
0x18: {  	_ =	swait.ge [sflag:s12], $0x80  }
0x19: {  	[sflag:s12] =	ssyncset.done $0x0  }
0x1a: {  	[sflag:s12] =	ssyncadd.s32 $0xFFFFFF80  }
0x1b: {  	[tilespmem:s16], [sflag:$0x1] =	stream.indirect.gather [hbm4b:s4+s15], $0x10, s13, s15, $0xb8;
	[tilespmem:$0x19000] =	vst v63  }
0x1c: {  	_ =	swait.ge [sflag:s17], $0x800  }
0x1d: {  	[sflag:s17] =	ssyncset.done $0x0  }
0x1e: {  	[sflag:s17] =	ssyncadd.s32 $0xFFFFF800  }
0x1f: {  	[spmem:s2] =	stream.indirect.scatter.add.f32 [tilespmem:s16], [sflag:$0x2], $0x10, s14, s15, $0xb8;
	[tilespmem:$0x19000] =	vst v63  }
0x20: {  	_ =	swait.ge [sflag:s12], $0x800  }
0x21: {  	s20 =	simm.s32 $0x20;
	s19 =	simm.s32 $0x10;
	[sflag:s12] =	ssyncset.done $0x0  }
.LBB2_2:
0x22: {  	s21 =	sadd.s32 s19, s10  }
0x23: {  	[sflag:s12] =	ssyncadd.s32 $0xFFFFF800;
	s22 =	smov.u32 s20;
	s23 =	sadd.s32 $0x10, s20  }
0x24: {  	[tilespmem:s13], [sflag:$0x2] =	stream.linear.gather [hbm4b:s21+s3], $0x80, $0x38;
	[tilespmem:$0x19000] =	vst v63  }
0x25: {  	p0 =	sne.s32 s20, $0x30D0;
	_ =	swait.ge [sflag:s12], $0x80  }
0x26: {  	[sflag:s12] =	ssyncset.done $0x0  }
0x27: {  	s20 =	sadd.s32 s19, s9;
	s19 =	smov.u32 s22;
	[sflag:s12] =	ssyncadd.s32 $0xFFFFFF80  }
0x28: {  	[tilespmem:s14], [sflag:$0x2] =	stream.linear.gather [hbm4b:s20+s3], $0x80, $0x38;
	[tilespmem:$0x19000] =	vst v63  }
0x29: {  	_ =	swait.ge [sflag:s12], $0x80  }
0x2a: {  	[sflag:s12] =	ssyncset.done $0x0  }
0x2b: {  	[sflag:s12] =	ssyncadd.s32 $0xFFFFFF80  }
0x2c: {  	[tilespmem:s16], [sflag:$0x1] =	stream.indirect.gather [hbm4b:s4+s15], $0x10, s13, s15, $0xb8;
	[tilespmem:$0x19000] =	vst v63  }
0x2d: {  	_ =	swait.ge [sflag:s17], $0x800  }
.Ltmp0:
0x2e: {  	[sflag:s17] =	ssyncset.done $0x0;
	(pc) =	sbr.rel @p0 .LBB2_2-.Ltmp0, $4  }
0x2f: {  	[sflag:s17] =	ssyncadd.s32 $0xFFFFF800  }
0x30: {  	[spmem:s2] =	stream.indirect.scatter.add.f32 [tilespmem:s16], [sflag:$0x2], $0x10, s14, s15, $0xb8;
	[tilespmem:$0x19000] =	vst v63  }
0x31: {  	_ =	swait.ge [sflag:s12], $0x800  }
0x32: {  	s20 =	smov.u32 s23;
	[sflag:s12] =	ssyncset.done $0x0  }
0x33: {  	s20 =	sadd.s32 s19, s10;
	[sflag:s12] =	ssyncadd.s32 $0xFFFFF800  }
0x34: {  	[tilespmem:s13], [sflag:$0x2] =	stream.linear.gather [hbm4b:s20+s3], $0x80, $0x38;
	[tilespmem:$0x19000] =	vst v63  }
0x35: {  	_ =	swait.ge [sflag:s12], $0x80  }
0x36: {  	[sflag:s12] =	ssyncset.done $0x0  }
0x37: {  	s31 =	sadd.s32 s19, s9;
	[sflag:s12] =	ssyncadd.s32 $0xFFFFFF80  }
0x38: {  	[tilespmem:s14], [sflag:$0x2] =	stream.linear.gather [hbm4b:s31+s3], $0x80, $0x38;
	[tilespmem:$0x19000] =	vst v63  }
0x39: {  	_ =	swait.ge [sflag:s12], $0x80  }
0x3a: {  	[sflag:s12] =	ssyncset.done $0x0  }
0x3b: {  	[sflag:s12] =	ssyncadd.s32 $0xFFFFFF80  }
0x3c: {  	[tilespmem:s16], [sflag:$0x1] =	stream.indirect.gather [hbm4b:s4+s15], $0x10, s13, s15, $0xb8;
	[tilespmem:$0x19000] =	vst v63  }
0x3d: {  	_ =	swait.ge [sflag:s17], $0x800  }
0x3e: {  	[sflag:s17] =	ssyncset.done $0x0  }
0x3f: {  	[sflag:s17] =	ssyncadd.s32 $0xFFFFF800  }
0x40: {  	[spmem:s2] =	stream.indirect.scatter.add.f32 [tilespmem:s16], [sflag:$0x2], $0x10, s14, s15, $0xb8;
	[tilespmem:$0x19000] =	vst v63  }
0x41: {  	_ =	swait.ge [sflag:s12], $0x800  }
0x42: {  	s18 =	sadd.s32 $0x1, s18;
	[sflag:s12] =	ssyncset.done $0x0  }
0x43: {  	p0 =	sne.s32 s18, s8;
	[sflag:s12] =	ssyncadd.s32 $0xFFFFF800  }
.Ltmp1:
0x44: {  	[bflag:$0x0] =	sbarrier.arrive $0xFFFF;
	(pc) =	sbr.rel @p0 .LBB2_1-.Ltmp1, $4  }
0x45: {  	[hbm:s7], [sflag:s6] =	dma.local [spmem:s11], $0x30E0  }
0x46: {  	_ =	swait.ge [sflag:s12], $0x30E0  }
0x47: {  	[sflag:s12] =	ssyncset.done $0x0  }
0x48: {  	[sflag:s12] =	ssyncadd.s32 $0xFFFFCF20  }
0x49: {  	_ =	sfence.sel $0x180000  }
0x4a: {  	[bflag:$0x0] =	sbarrier.arrive $0xFFFF  }
0x4b: {  	p0 =	sne.s32 s0, $0x0;
	_ =	strace $0x90000050  }
0x4c: {  	s0 =	sadd.s32 @!p0 $0x100000, s1;
	[bflag:$0x2] =	sbarrier.arrive $0xFFFF  }
0x4d: {  	[sflag:s0] =	ssyncadd.tile.s32 @!p0 $0x1;
	_ =	shalt  }
.Lfunc_end2:
_tile_overlayer_lowered:
.L_overlay_start_2:
0x4e: {  	(tag) =	ssettag $0x2  }
0x4f: {  	s0 =	rddreg [dreg:$0x0];
	s2 =	stileid.u32  }
0x50: {  	s1 =	rddreg [dreg:$0x1];
	p0 =	sne.s32 s2, $0x0  }
0x51: {  	s3 =	rddreg [dreg:$0x2];
	[bflag:$0x3] =	sbarrier.arrive $0xFFFF;
	s2 =	simm.s32 @!p0 $0x1C02  }
0x52: {  	[timem:s3], [sflag:s2] =	dma.local @!p0 [hbm:s0], s1  }
0x53: {  	s0 =	simm.s32 @!p0 $0x2  }
0x54: {  	_ =	swait.ge @!p0 [sflag:s0], s1  }
0x55: {  	s1 =	ssub.s32 @!p0 $0x0, s1;
	[sflag:s0] =	ssyncset.done @!p0 $0x0  }
0x56: {  	[sflag:s0] =	ssyncadd.s32 @!p0 s1  }
0x57: {  	[bflag:$0x3] =	sbarrier.arrive $0xFFFF  }
0x58: {  	_ =	shalt  }

</sc_bundles>
